<compile_context>
chip_gen: v7x
topology: tpu7x:2x2x1
jax: 0.10.2.dev20260603
libtpu: 0.0.44.dev20260713+nightly
codegen_flags: <defaults>
</compile_context>

<pallas_src>
import functools

import jax
import jax.numpy as jnp
from jax import lax
from jax.experimental import pallas as pl
from jax.experimental.pallas import tpu as pltpu
from jax.experimental.pallas import tpu_sc as plsc

_NUM_CORES = 2
_NUM_SUBCORES = 16
_NW = _NUM_CORES * _NUM_SUBCORES

_CHUNK = 128
_D0 = 256
_DT = 128
_DW = _D0 + _DT


def _build_gather(n_idx: int, vocab: int):
    assert n_idx % (_NW * _CHUNK) == 0
    n_chunks = n_idx // _CHUNK
    chunks_per_w = n_chunks // _NW
    assert chunks_per_w % 2 == 0
    idx_per_w = n_idx // _NW

    mesh = plsc.VectorSubcoreMesh(
        core_axis_name="c", subcore_axis_name="s",
        num_cores=_NUM_CORES, num_subcores=_NUM_SUBCORES)

    @functools.partial(
        pl.kernel,
        out_type=jax.ShapeDtypeStruct((n_chunks, _CHUNK, _DW), jnp.float32),
        mesh=mesh,
        scratch_types=[
            pltpu.VMEM((idx_per_w,), jnp.int32),
            pltpu.VMEM((_CHUNK, _DW), jnp.float32),
            pltpu.VMEM((_CHUNK, _DW), jnp.float32),
            pltpu.SemaphoreType.DMA,
            pltpu.SemaphoreType.DMA,
            pltpu.SemaphoreType.DMA,
            pltpu.SemaphoreType.DMA,
            pltpu.SemaphoreType.DMA,
            pltpu.SemaphoreType.DMA,
        ],
    )
    def gather(table_hbm, tail_hbm, idx_hbm, out_hbm, idx_v, r0, r1,
               sa0, sb0, sw0, sa1, sb1, sw1):
        wid = lax.axis_index("s") * _NUM_CORES + lax.axis_index("c")
        cbase = wid * chunks_per_w
        pltpu.sync_copy(idx_hbm.at[wid], idx_v)

        bufs = (r0, r1)
        sas = (sa0, sa1)
        sbs = (sb0, sb1)
        sws = (sw0, sw1)

        def start_gather(c, j):
            ids = idx_v.at[pl.ds(c * _CHUNK, _CHUNK)]
            pltpu.async_copy(table_hbm.at[ids, pl.ds(0, _D0)],
                             bufs[j].at[:, pl.ds(0, _D0)], sas[j])
            pltpu.async_copy(tail_hbm.at[ids],
                             bufs[j].at[:, pl.ds(_D0, _DT)], sbs[j])

        def wait_gather(c, j):
            ids = idx_v.at[pl.ds(c * _CHUNK, _CHUNK)]
            pltpu.make_async_copy(table_hbm.at[ids, pl.ds(0, _D0)],
                                  bufs[j].at[:, pl.ds(0, _D0)], sas[j]).wait()
            pltpu.make_async_copy(tail_hbm.at[ids],
                                  bufs[j].at[:, pl.ds(_D0, _DT)],
                                  sbs[j]).wait()

        def start_write(c, j):
            pltpu.async_copy(bufs[j], out_hbm.at[cbase + c], sws[j])

        def wait_write(c, j):
            pltpu.make_async_copy(bufs[j], out_hbm.at[cbase + c],
                                  sws[j]).wait()

        start_gather(0, 0)
        start_gather(1, 1)

        @pl.loop(0, chunks_per_w, step=2)
        def _(c0):
            c1 = c0 + 1
            wait_gather(c0, 0)
            start_write(c0, 0)
            wait_gather(c1, 1)
            start_write(c1, 1)
            wait_write(c0, 0)

            @pl.when(c0 + 2 < chunks_per_w)
            def _():
                start_gather(c0 + 2, 0)

            wait_write(c1, 1)

            @pl.when(c1 + 2 < chunks_per_w)
            def _():
                start_gather(c1 + 2, 1)

    return gather


def kernel(x, table):
    b, l = x.shape
    vocab, dim = table.shape
    n_idx = b * l
    idx = x.reshape(_NW, n_idx // _NW).astype(jnp.int32)
    tail = jnp.pad(table[:, _D0:], ((0, 0), (0, _DT - (dim - _D0))))
    wide = _build_gather(n_idx, vocab)(table, tail, idx)
    embeddings = wide.reshape(n_idx, _DW)[:, :dim].reshape(b, l, dim)
    mask = jnp.ones((b, l), dtype=x.dtype)
    return (embeddings, mask)

# --- scband reference (transcript-rebuilt; emitter-appended) ---
"""Pipeline reference for scband-glo-ve-8280696947053 (READ-ONLY COPY).

The authoritative reference and input builder live on the scoring server;
editing this copy changes nothing except your own understanding.
"""

import jax, jax.numpy as jnp
import numpy as np

VOCAB = 100000
DIM = 300
B = 4096
L = 50

def setup_inputs(seed: int = 0) -> dict:
    key = jax.random.key(seed)
    k1, k2 = jax.random.split(key)
    x = jax.random.randint(k1, (B, L), 0, VOCAB, dtype=jnp.int64)
    table = jax.random.uniform(k2, (VOCAB, DIM), dtype=jnp.float32, minval=-0.05, maxval=0.05)
    return {"x": x, "table": table}

def reference(x, table):
    # vectorize() proxy: indices already integer ids; mask is all-ones since
    # every position in the dense [B, L] batch is a valid token here.
    mask = jnp.ones((x.shape[0], x.shape[1]), dtype=jnp.int64)
    # nn.Embedding lookup -> row gather
    embeddings = jnp.take(table, x, axis=0)
    # dropout with p=0.0 is identity (eval semantics)
    return (embeddings, mask)

if __name__ == "__main__":
    import jax
    _d = setup_inputs()
    print(jax.jit(kernel)(*tuple(_d.values())))

</pallas_src>

<mosaic_0001>
#map = affine_map<(d0, d1) -> (0, 0)>
#map1 = affine_map<(d0, d1) -> (0, 0, 0)>
module attributes {stable_mosaic.version = 14 : i64} {
  func.func @gather(%arg0: i32, %arg1: i32, %arg2: memref<100000x300xf32, #tpu.memory_space<hbm>>, %arg3: memref<100000x128xf32, #tpu.memory_space<hbm>>, %arg4: memref<32x6400xi32, #tpu.memory_space<hbm>>, %arg5: memref<1600x128x384xf32, #tpu.memory_space<hbm>>, %arg6: memref<6400xi32, #tpu.memory_space<vmem>>, %arg7: memref<128x384xf32, #tpu.memory_space<vmem>>, %arg8: memref<128x384xf32, #tpu.memory_space<vmem>>, %arg9: memref<!tpu.dma_semaphore, #tpu.memory_space<semaphore_mem>>, %arg10: memref<!tpu.dma_semaphore, #tpu.memory_space<semaphore_mem>>, %arg11: memref<!tpu.dma_semaphore, #tpu.memory_space<semaphore_mem>>, %arg12: memref<!tpu.dma_semaphore, #tpu.memory_space<semaphore_mem>>, %arg13: memref<!tpu.dma_semaphore, #tpu.memory_space<semaphore_mem>>, %arg14: memref<!tpu.dma_semaphore, #tpu.memory_space<semaphore_mem>>) attributes {dimension_semantics = [#tpu.dimension_semantics<core_parallel>, #tpu.dimension_semantics<subcore_parallel>], iteration_bounds = array<i64: 2, 16>, scalar_prefetch = 0 : i64, scratch_operands = 9 : i64, tpu.core_type = #tpu.core_type<sc_vector_subcore>, window_params = [{transform_indices = #map}, {transform_indices = #map}, {transform_indices = #map}, {transform_indices = #map1}]} {
    %mul3A = arith.constant 2 : i32
    %mul3A_0 = arith.muli %arg1, %mul3A : i32
    %add3A = arith.addi %mul3A_0, %arg0 : i32
    %mul3A_1 = arith.constant 50 : i32
    %mul3A_2 = arith.muli %add3A, %mul3A_1 : i32
    "tpu.region"() ({
      %run_scoped3A = tpu.sem_alloc : memref<!tpu.dma_semaphore, #tpu.memory_space<semaphore_mem>>
      %dma_start3A_38 = arith.constant 0 : i32
      %dma_start3A_39 = tpu.memref_slice %arg4[%add3A, %dma_start3A_38] : memref<32x6400xi32, #tpu.memory_space<hbm>> -> memref<1x6400xi32, #tpu.memory_space<hbm>>
      %dma_start3A_40 = tpu.memref_squeeze %dma_start3A_39 : memref<1x6400xi32, #tpu.memory_space<hbm>> -> memref<6400xi32, #tpu.memory_space<hbm>>
      %dma_start3A_41 = arith.constant 0 : i32
      %dma_start3A_42 = tpu.memref_slice %arg4[%add3A, %dma_start3A_41] : memref<32x6400xi32, #tpu.memory_space<hbm>> -> memref<1x6400xi32, #tpu.memory_space<hbm>>
      %dma_start3A_43 = tpu.memref_squeeze %dma_start3A_42 : memref<1x6400xi32, #tpu.memory_space<hbm>> -> memref<6400xi32, #tpu.memory_space<hbm>>
      tpu.enqueue_dma source(%dma_start3A_43 : memref<6400xi32, #tpu.memory_space<hbm>>) target(%arg6 : memref<6400xi32, #tpu.memory_space<vmem>>) target_semaphore(%run_scoped3A : memref<!tpu.dma_semaphore, #tpu.memory_space<semaphore_mem>>)
      %dma_wait3A = arith.constant 0 : i32
      %dma_wait3A_44 = tpu.memref_slice %arg4[%add3A, %dma_wait3A] : memref<32x6400xi32, #tpu.memory_space<hbm>> -> memref<1x6400xi32, #tpu.memory_space<hbm>>
      %dma_wait3A_45 = tpu.memref_squeeze %dma_wait3A_44 : memref<1x6400xi32, #tpu.memory_space<hbm>> -> memref<6400xi32, #tpu.memory_space<hbm>>
      %dma_wait3A_46 = arith.constant 0 : i32
      %dma_wait3A_47 = tpu.memref_slice %arg4[%add3A, %dma_wait3A_46] : memref<32x6400xi32, #tpu.memory_space<hbm>> -> memref<1x6400xi32, #tpu.memory_space<hbm>>
      %dma_wait3A_48 = tpu.memref_squeeze %dma_wait3A_47 : memref<1x6400xi32, #tpu.memory_space<hbm>> -> memref<6400xi32, #tpu.memory_space<hbm>>
      tpu.wait_dma2 semaphore(%run_scoped3A : memref<!tpu.dma_semaphore, #tpu.memory_space<semaphore_mem>>) src(%dma_wait3A_48 : memref<6400xi32, #tpu.memory_space<hbm>>) dst(%arg6 : memref<6400xi32, #tpu.memory_space<vmem>>)
      tpu.yield
    }) : () -> ()
    %dma_start3A = arith.constant 0 : i32
    %dma_start3A_3 = arith.constant 0 : i32
    %dma_start3A_4 = tpu.memref_slice %arg7[%dma_start3A, %dma_start3A_3] : memref<128x384xf32, #tpu.memory_space<vmem>> -> memref<128x256xf32, #tpu.memory_space<vmem>>
    %dma_start3A_5 = arith.constant 0 : i32
    %dma_start3A_6 = tpu.memref_slice %arg6[%dma_start3A_5] : memref<6400xi32, #tpu.memory_space<vmem>> -> memref<128xi32, #tpu.memory_space<vmem>>
    %dma_start3A_7 = arith.constant 0 : i32
    %dma_start3A_8 = arith.constant 0 : i32
    %dma_start3A_9 = tpu.memref_slice %arg2[%dma_start3A_7, %dma_start3A_8] : memref<100000x300xf32, #tpu.memory_space<hbm>> -> memref<100000x256xf32, #tpu.memory_space<hbm>>
    tpu.enqueue_indirect_dma source(%dma_start3A_9 : memref<100000x256xf32, #tpu.memory_space<hbm>>) target(%dma_start3A_4 : memref<128x256xf32, #tpu.memory_space<vmem>>) offsets(%dma_start3A_6 : memref<128xi32, #tpu.memory_space<vmem>>) semaphore(%arg9 : memref<!tpu.dma_semaphore, #tpu.memory_space<semaphore_mem>>)
    %dma_start3A_10 = arith.constant 0 : i32
    %dma_start3A_11 = arith.constant 256 : i32
    %dma_start3A_12 = tpu.memref_slice %arg7[%dma_start3A_10, %dma_start3A_11] : memref<128x384xf32, #tpu.memory_space<vmem>> -> memref<128x128xf32, #tpu.memory_space<vmem>>
    %dma_start3A_13 = arith.constant 0 : i32
    %dma_start3A_14 = tpu.memref_slice %arg6[%dma_start3A_13] : memref<6400xi32, #tpu.memory_space<vmem>> -> memref<128xi32, #tpu.memory_space<vmem>>
    %dma_start3A_15 = arith.constant 0 : i32
    %dma_start3A_16 = arith.constant 0 : i32
    %dma_start3A_17 = tpu.memref_slice %arg3[%dma_start3A_15, %dma_start3A_16] : memref<100000x128xf32, #tpu.memory_space<hbm>> -> memref<100000x128xf32, #tpu.memory_space<hbm>>
    tpu.enqueue_indirect_dma source(%dma_start3A_17 : memref<100000x128xf32, #tpu.memory_space<hbm>>) target(%dma_start3A_12 : memref<128x128xf32, #tpu.memory_space<vmem>>) offsets(%dma_start3A_14 : memref<128xi32, #tpu.memory_space<vmem>>) semaphore(%arg10 : memref<!tpu.dma_semaphore, #tpu.memory_space<semaphore_mem>>)
    %dma_start3A_18 = arith.constant 0 : i32
    %dma_start3A_19 = arith.constant 0 : i32
    %dma_start3A_20 = tpu.memref_slice %arg8[%dma_start3A_18, %dma_start3A_19] : memref<128x384xf32, #tpu.memory_space<vmem>> -> memref<128x256xf32, #tpu.memory_space<vmem>>
    %dma_start3A_21 = arith.constant 128 : i32
    %dma_start3A_22 = tpu.memref_slice %arg6[%dma_start3A_21] : memref<6400xi32, #tpu.memory_space<vmem>> -> memref<128xi32, #tpu.memory_space<vmem>>
    %dma_start3A_23 = arith.constant 0 : i32
    %dma_start3A_24 = arith.constant 0 : i32
    %dma_start3A_25 = tpu.memref_slice %arg2[%dma_start3A_23, %dma_start3A_24] : memref<100000x300xf32, #tpu.memory_space<hbm>> -> memref<100000x256xf32, #tpu.memory_space<hbm>>
    tpu.enqueue_indirect_dma source(%dma_start3A_25 : memref<100000x256xf32, #tpu.memory_space<hbm>>) target(%dma_start3A_20 : memref<128x256xf32, #tpu.memory_space<vmem>>) offsets(%dma_start3A_22 : memref<128xi32, #tpu.memory_space<vmem>>) semaphore(%arg12 : memref<!tpu.dma_semaphore, #tpu.memory_space<semaphore_mem>>)
    %dma_start3A_26 = arith.constant 0 : i32
    %dma_start3A_27 = arith.constant 256 : i32
    %dma_start3A_28 = tpu.memref_slice %arg8[%dma_start3A_26, %dma_start3A_27] : memref<128x384xf32, #tpu.memory_space<vmem>> -> memref<128x128xf32, #tpu.memory_space<vmem>>
    %dma_start3A_29 = arith.constant 128 : i32
    %dma_start3A_30 = tpu.memref_slice %arg6[%dma_start3A_29] : memref<6400xi32, #tpu.memory_space<vmem>> -> memref<128xi32, #tpu.memory_space<vmem>>
    %dma_start3A_31 = arith.constant 0 : i32
    %dma_start3A_32 = arith.constant 0 : i32
    %dma_start3A_33 = tpu.memref_slice %arg3[%dma_start3A_31, %dma_start3A_32] : memref<100000x128xf32, #tpu.memory_space<hbm>> -> memref<100000x128xf32, #tpu.memory_space<hbm>>
    tpu.enqueue_indirect_dma source(%dma_start3A_33 : memref<100000x128xf32, #tpu.memory_space<hbm>>) target(%dma_start3A_28 : memref<128x128xf32, #tpu.memory_space<vmem>>) offsets(%dma_start3A_30 : memref<128xi32, #tpu.memory_space<vmem>>) semaphore(%arg13 : memref<!tpu.dma_semaphore, #tpu.memory_space<semaphore_mem>>)
    %scan3A = arith.constant 0 : i32
    %scan3A_34 = arith.constant 25 : i32
    %scan3A_35 = arith.addi %scan3A, %scan3A_34 : i32
    %scan3A_36 = arith.constant 1 : i32
    scf.for %scan3A_38 = %scan3A to %scan3A_35 step %scan3A_36  : i32 {
      %mul3A_39 = arith.constant 2 : i32
      %mul3A_40 = arith.muli %scan3A_38, %mul3A_39 : i32
      %add3A_41 = arith.constant 0 : i32
      %add3A_42 = arith.addi %add3A_41, %mul3A_40 : i32
      %add3A_43 = arith.constant 1 : i32
      %add3A_44 = arith.addi %add3A_42, %add3A_43 : i32
      %mul3A_45 = arith.constant 128 : i32
      %mul3A_46 = arith.muli %add3A_42, %mul3A_45 : i32
      %dma_wait3A = arith.constant 0 : i32
      %dma_wait3A_47 = arith.constant 0 : i32
      %dma_wait3A_48 = tpu.memref_slice %arg7[%dma_wait3A, %dma_wait3A_47] : memref<128x384xf32, #tpu.memory_space<vmem>> -> memref<128x256xf32, #tpu.memory_space<vmem>>
      %dma_wait3A_49 = tpu.memref_slice %arg6[%mul3A_46] : memref<6400xi32, #tpu.memory_space<vmem>> -> memref<128xi32, #tpu.memory_space<vmem>>
      %dma_wait3A_50 = arith.constant 0 : i32
      %dma_wait3A_51 = arith.constant 0 : i32
      %dma_wait3A_52 = tpu.memref_slice %arg2[%dma_wait3A_50, %dma_wait3A_51] : memref<100000x300xf32, #tpu.memory_space<hbm>> -> memref<100000x256xf32, #tpu.memory_space<hbm>>
      tpu.wait_indirect_dma semaphore(%arg9 : memref<!tpu.dma_semaphore, #tpu.memory_space<semaphore_mem>>) src(%dma_wait3A_52 : memref<100000x256xf32, #tpu.memory_space<hbm>>) dst(%dma_wait3A_48 : memref<128x256xf32, #tpu.memory_space<vmem>>)
      %dma_wait3A_53 = arith.constant 0 : i32
      %dma_wait3A_54 = arith.constant 256 : i32
      %dma_wait3A_55 = tpu.memref_slice %arg7[%dma_wait3A_53, %dma_wait3A_54] : memref<128x384xf32, #tpu.memory_space<vmem>> -> memref<128x128xf32, #tpu.memory_space<vmem>>
      %dma_wait3A_56 = tpu.memref_slice %arg6[%mul3A_46] : memref<6400xi32, #tpu.memory_space<vmem>> -> memref<128xi32, #tpu.memory_space<vmem>>
      %dma_wait3A_57 = arith.constant 0 : i32
      %dma_wait3A_58 = arith.constant 0 : i32
      %dma_wait3A_59 = tpu.memref_slice %arg3[%dma_wait3A_57, %dma_wait3A_58] : memref<100000x128xf32, #tpu.memory_space<hbm>> -> memref<100000x128xf32, #tpu.memory_space<hbm>>
      tpu.wait_indirect_dma semaphore(%arg10 : memref<!tpu.dma_semaphore, #tpu.memory_space<semaphore_mem>>) src(%dma_wait3A_59 : memref<100000x128xf32, #tpu.memory_space<hbm>>) dst(%dma_wait3A_55 : memref<128x128xf32, #tpu.memory_space<vmem>>)
      %add3A_60 = arith.addi %mul3A_2, %add3A_42 : i32
      %dma_start3A_61 = arith.constant 0 : i32
      %dma_start3A_62 = arith.constant 0 : i32
      %dma_start3A_63 = tpu.memref_slice %arg5[%add3A_60, %dma_start3A_61, %dma_start3A_62] : memref<1600x128x384xf32, #tpu.memory_space<hbm>> -> memref<1x128x384xf32, #tpu.memory_space<hbm>>
      %dma_start3A_64 = tpu.memref_squeeze %dma_start3A_63 : memref<1x128x384xf32, #tpu.memory_space<hbm>> -> memref<128x384xf32, #tpu.memory_space<hbm>>
      %dma_start3A_65 = arith.constant 0 : i32
      %dma_start3A_66 = arith.constant 0 : i32
      %dma_start3A_67 = tpu.memref_slice %arg5[%add3A_60, %dma_start3A_65, %dma_start3A_66] : memref<1600x128x384xf32, #tpu.memory_space<hbm>> -> memref<1x128x384xf32, #tpu.memory_space<hbm>>
      %dma_start3A_68 = tpu.memref_squeeze %dma_start3A_67 : memref<1x128x384xf32, #tpu.memory_space<hbm>> -> memref<128x384xf32, #tpu.memory_space<hbm>>
      tpu.enqueue_dma source(%arg7 : memref<128x384xf32, #tpu.memory_space<vmem>>) target(%dma_start3A_68 : memref<128x384xf32, #tpu.memory_space<hbm>>) target_semaphore(%arg11 : memref<!tpu.dma_semaphore, #tpu.memory_space<semaphore_mem>>)
      %mul3A_69 = arith.constant 128 : i32
      %mul3A_70 = arith.muli %add3A_44, %mul3A_69 : i32
      %dma_wait3A_71 = arith.constant 0 : i32
      %dma_wait3A_72 = arith.constant 0 : i32
      %dma_wait3A_73 = tpu.memref_slice %arg8[%dma_wait3A_71, %dma_wait3A_72] : memref<128x384xf32, #tpu.memory_space<vmem>> -> memref<128x256xf32, #tpu.memory_space<vmem>>
      %dma_wait3A_74 = tpu.memref_slice %arg6[%mul3A_70] : memref<6400xi32, #tpu.memory_space<vmem>> -> memref<128xi32, #tpu.memory_space<vmem>>
      %dma_wait3A_75 = arith.constant 0 : i32
      %dma_wait3A_76 = arith.constant 0 : i32
      %dma_wait3A_77 = tpu.memref_slice %arg2[%dma_wait3A_75, %dma_wait3A_76] : memref<100000x300xf32, #tpu.memory_space<hbm>> -> memref<100000x256xf32, #tpu.memory_space<hbm>>
      tpu.wait_indirect_dma semaphore(%arg12 : memref<!tpu.dma_semaphore, #tpu.memory_space<semaphore_mem>>) src(%dma_wait3A_77 : memref<100000x256xf32, #tpu.memory_space<hbm>>) dst(%dma_wait3A_73 : memref<128x256xf32, #tpu.memory_space<vmem>>)
      %dma_wait3A_78 = arith.constant 0 : i32
      %dma_wait3A_79 = arith.constant 256 : i32
      %dma_wait3A_80 = tpu.memref_slice %arg8[%dma_wait3A_78, %dma_wait3A_79] : memref<128x384xf32, #tpu.memory_space<vmem>> -> memref<128x128xf32, #tpu.memory_space<vmem>>
      %dma_wait3A_81 = tpu.memref_slice %arg6[%mul3A_70] : memref<6400xi32, #tpu.memory_space<vmem>> -> memref<128xi32, #tpu.memory_space<vmem>>
      %dma_wait3A_82 = arith.constant 0 : i32
      %dma_wait3A_83 = arith.constant 0 : i32
      %dma_wait3A_84 = tpu.memref_slice %arg3[%dma_wait3A_82, %dma_wait3A_83] : memref<100000x128xf32, #tpu.memory_space<hbm>> -> memref<100000x128xf32, #tpu.memory_space<hbm>>
      tpu.wait_indirect_dma semaphore(%arg13 : memref<!tpu.dma_semaphore, #tpu.memory_space<semaphore_mem>>) src(%dma_wait3A_84 : memref<100000x128xf32, #tpu.memory_space<hbm>>) dst(%dma_wait3A_80 : memref<128x128xf32, #tpu.memory_space<vmem>>)
      %add3A_85 = arith.addi %mul3A_2, %add3A_44 : i32
      %dma_start3A_86 = arith.constant 0 : i32
      %dma_start3A_87 = arith.constant 0 : i32
      %dma_start3A_88 = tpu.memref_slice %arg5[%add3A_85, %dma_start3A_86, %dma_start3A_87] : memref<1600x128x384xf32, #tpu.memory_space<hbm>> -> memref<1x128x384xf32, #tpu.memory_space<hbm>>
      %dma_start3A_89 = tpu.memref_squeeze %dma_start3A_88 : memref<1x128x384xf32, #tpu.memory_space<hbm>> -> memref<128x384xf32, #tpu.memory_space<hbm>>
      %dma_start3A_90 = arith.constant 0 : i32
      %dma_start3A_91 = arith.constant 0 : i32
      %dma_start3A_92 = tpu.memref_slice %arg5[%add3A_85, %dma_start3A_90, %dma_start3A_91] : memref<1600x128x384xf32, #tpu.memory_space<hbm>> -> memref<1x128x384xf32, #tpu.memory_space<hbm>>
      %dma_start3A_93 = tpu.memref_squeeze %dma_start3A_92 : memref<1x128x384xf32, #tpu.memory_space<hbm>> -> memref<128x384xf32, #tpu.memory_space<hbm>>
      tpu.enqueue_dma source(%arg8 : memref<128x384xf32, #tpu.memory_space<vmem>>) target(%dma_start3A_93 : memref<128x384xf32, #tpu.memory_space<hbm>>) target_semaphore(%arg14 : memref<!tpu.dma_semaphore, #tpu.memory_space<semaphore_mem>>)
      %add3A_94 = arith.addi %mul3A_2, %add3A_42 : i32
      %dma_wait3A_95 = arith.constant 0 : i32
      %dma_wait3A_96 = arith.constant 0 : i32
      %dma_wait3A_97 = tpu.memref_slice %arg5[%add3A_94, %dma_wait3A_95, %dma_wait3A_96] : memref<1600x128x384xf32, #tpu.memory_space<hbm>> -> memref<1x128x384xf32, #tpu.memory_space<hbm>>
      %dma_wait3A_98 = tpu.memref_squeeze %dma_wait3A_97 : memref<1x128x384xf32, #tpu.memory_space<hbm>> -> memref<128x384xf32, #tpu.memory_space<hbm>>
      %dma_wait3A_99 = arith.constant 0 : i32
      %dma_wait3A_100 = arith.constant 0 : i32
      %dma_wait3A_101 = tpu.memref_slice %arg5[%add3A_94, %dma_wait3A_99, %dma_wait3A_100] : memref<1600x128x384xf32, #tpu.memory_space<hbm>> -> memref<1x128x384xf32, #tpu.memory_space<hbm>>
      %dma_wait3A_102 = tpu.memref_squeeze %dma_wait3A_101 : memref<1x128x384xf32, #tpu.memory_space<hbm>> -> memref<128x384xf32, #tpu.memory_space<hbm>>
      tpu.wait_dma2 semaphore(%arg11 : memref<!tpu.dma_semaphore, #tpu.memory_space<semaphore_mem>>) src(%arg7 : memref<128x384xf32, #tpu.memory_space<vmem>>) dst(%dma_wait3A_102 : memref<128x384xf32, #tpu.memory_space<hbm>>)
      %add3A_103 = arith.constant 2 : i32
      %add3A_104 = arith.addi %add3A_42, %add3A_103 : i32
      %lt3A = arith.constant 50 : i32
      %lt3A_105 = arith.cmpi slt, %add3A_104, %lt3A : i32
      %convert_element_type3A = arith.extui %lt3A_105 : i1 to i32
      %cond3A = arith.constant 0 : i32
      %cond3A_106 = arith.cmpi ne, %convert_element_type3A, %cond3A : i32
      scf.if %cond3A_106 {
        %add3A_123 = arith.constant 2 : i32
        %add3A_124 = arith.addi %add3A_42, %add3A_123 : i32
        %mul3A_125 = arith.constant 128 : i32
        %mul3A_126 = arith.muli %add3A_124, %mul3A_125 : i32
        %dma_start3A_127 = arith.constant 0 : i32
        %dma_start3A_128 = arith.constant 0 : i32
        %dma_start3A_129 = tpu.memref_slice %arg7[%dma_start3A_127, %dma_start3A_128] : memref<128x384xf32, #tpu.memory_space<vmem>> -> memref<128x256xf32, #tpu.memory_space<vmem>>
        %dma_start3A_130 = tpu.memref_slice %arg6[%mul3A_126] : memref<6400xi32, #tpu.memory_space<vmem>> -> memref<128xi32, #tpu.memory_space<vmem>>
        %dma_start3A_131 = arith.constant 0 : i32
        %dma_start3A_132 = arith.constant 0 : i32
        %dma_start3A_133 = tpu.memref_slice %arg2[%dma_start3A_131, %dma_start3A_132] : memref<100000x300xf32, #tpu.memory_space<hbm>> -> memref<100000x256xf32, #tpu.memory_space<hbm>>
        tpu.enqueue_indirect_dma source(%dma_start3A_133 : memref<100000x256xf32, #tpu.memory_space<hbm>>) target(%dma_start3A_129 : memref<128x256xf32, #tpu.memory_space<vmem>>) offsets(%dma_start3A_130 : memref<128xi32, #tpu.memory_space<vmem>>) semaphore(%arg9 : memref<!tpu.dma_semaphore, #tpu.memory_space<semaphore_mem>>)
        %dma_start3A_134 = arith.constant 0 : i32
        %dma_start3A_135 = arith.constant 256 : i32
        %dma_start3A_136 = tpu.memref_slice %arg7[%dma_start3A_134, %dma_start3A_135] : memref<128x384xf32, #tpu.memory_space<vmem>> -> memref<128x128xf32, #tpu.memory_space<vmem>>
        %dma_start3A_137 = tpu.memref_slice %arg6[%mul3A_126] : memref<6400xi32, #tpu.memory_space<vmem>> -> memref<128xi32, #tpu.memory_space<vmem>>
        %dma_start3A_138 = arith.constant 0 : i32
        %dma_start3A_139 = arith.constant 0 : i32
        %dma_start3A_140 = tpu.memref_slice %arg3[%dma_start3A_138, %dma_start3A_139] : memref<100000x128xf32, #tpu.memory_space<hbm>> -> memref<100000x128xf32, #tpu.memory_space<hbm>>
        tpu.enqueue_indirect_dma source(%dma_start3A_140 : memref<100000x128xf32, #tpu.memory_space<hbm>>) target(%dma_start3A_136 : memref<128x128xf32, #tpu.memory_space<vmem>>) offsets(%dma_start3A_137 : memref<128xi32, #tpu.memory_space<vmem>>) semaphore(%arg10 : memref<!tpu.dma_semaphore, #tpu.memory_space<semaphore_mem>>)
      } else {
      }
      %add3A_107 = arith.addi %mul3A_2, %add3A_44 : i32
      %dma_wait3A_108 = arith.constant 0 : i32
      %dma_wait3A_109 = arith.constant 0 : i32
      %dma_wait3A_110 = tpu.memref_slice %arg5[%add3A_107, %dma_wait3A_108, %dma_wait3A_109] : memref<1600x128x384xf32, #tpu.memory_space<hbm>> -> memref<1x128x384xf32, #tpu.memory_space<hbm>>
      %dma_wait3A_111 = tpu.memref_squeeze %dma_wait3A_110 : memref<1x128x384xf32, #tpu.memory_space<hbm>> -> memref<128x384xf32, #tpu.memory_space<hbm>>
      %dma_wait3A_112 = arith.constant 0 : i32
      %dma_wait3A_113 = arith.constant 0 : i32
      %dma_wait3A_114 = tpu.memref_slice %arg5[%add3A_107, %dma_wait3A_112, %dma_wait3A_113] : memref<1600x128x384xf32, #tpu.memory_space<hbm>> -> memref<1x128x384xf32, #tpu.memory_space<hbm>>
      %dma_wait3A_115 = tpu.memref_squeeze %dma_wait3A_114 : memref<1x128x384xf32, #tpu.memory_space<hbm>> -> memref<128x384xf32, #tpu.memory_space<hbm>>
      tpu.wait_dma2 semaphore(%arg14 : memref<!tpu.dma_semaphore, #tpu.memory_space<semaphore_mem>>) src(%arg8 : memref<128x384xf32, #tpu.memory_space<vmem>>) dst(%dma_wait3A_115 : memref<128x384xf32, #tpu.memory_space<hbm>>)
      %add3A_116 = arith.constant 2 : i32
      %add3A_117 = arith.addi %add3A_44, %add3A_116 : i32
      %lt3A_118 = arith.constant 50 : i32
      %lt3A_119 = arith.cmpi slt, %add3A_117, %lt3A_118 : i32
      %convert_element_type3A_120 = arith.extui %lt3A_119 : i1 to i32
      %cond3A_121 = arith.constant 0 : i32
      %cond3A_122 = arith.cmpi ne, %convert_element_type3A_120, %cond3A_121 : i32
      scf.if %cond3A_122 {
        %add3A_123 = arith.constant 2 : i32
        %add3A_124 = arith.addi %add3A_44, %add3A_123 : i32
        %mul3A_125 = arith.constant 128 : i32
        %mul3A_126 = arith.muli %add3A_124, %mul3A_125 : i32
        %dma_start3A_127 = arith.constant 0 : i32
        %dma_start3A_128 = arith.constant 0 : i32
        %dma_start3A_129 = tpu.memref_slice %arg8[%dma_start3A_127, %dma_start3A_128] : memref<128x384xf32, #tpu.memory_space<vmem>> -> memref<128x256xf32, #tpu.memory_space<vmem>>
        %dma_start3A_130 = tpu.memref_slice %arg6[%mul3A_126] : memref<6400xi32, #tpu.memory_space<vmem>> -> memref<128xi32, #tpu.memory_space<vmem>>
        %dma_start3A_131 = arith.constant 0 : i32
        %dma_start3A_132 = arith.constant 0 : i32
        %dma_start3A_133 = tpu.memref_slice %arg2[%dma_start3A_131, %dma_start3A_132] : memref<100000x300xf32, #tpu.memory_space<hbm>> -> memref<100000x256xf32, #tpu.memory_space<hbm>>
        tpu.enqueue_indirect_dma source(%dma_start3A_133 : memref<100000x256xf32, #tpu.memory_space<hbm>>) target(%dma_start3A_129 : memref<128x256xf32, #tpu.memory_space<vmem>>) offsets(%dma_start3A_130 : memref<128xi32, #tpu.memory_space<vmem>>) semaphore(%arg12 : memref<!tpu.dma_semaphore, #tpu.memory_space<semaphore_mem>>)
        %dma_start3A_134 = arith.constant 0 : i32
        %dma_start3A_135 = arith.constant 256 : i32
        %dma_start3A_136 = tpu.memref_slice %arg8[%dma_start3A_134, %dma_start3A_135] : memref<128x384xf32, #tpu.memory_space<vmem>> -> memref<128x128xf32, #tpu.memory_space<vmem>>
        %dma_start3A_137 = tpu.memref_slice %arg6[%mul3A_126] : memref<6400xi32, #tpu.memory_space<vmem>> -> memref<128xi32, #tpu.memory_space<vmem>>
        %dma_start3A_138 = arith.constant 0 : i32
        %dma_start3A_139 = arith.constant 0 : i32
        %dma_start3A_140 = tpu.memref_slice %arg3[%dma_start3A_138, %dma_start3A_139] : memref<100000x128xf32, #tpu.memory_space<hbm>> -> memref<100000x128xf32, #tpu.memory_space<hbm>>
        tpu.enqueue_indirect_dma source(%dma_start3A_140 : memref<100000x128xf32, #tpu.memory_space<hbm>>) target(%dma_start3A_136 : memref<128x128xf32, #tpu.memory_space<vmem>>) offsets(%dma_start3A_137 : memref<128xi32, #tpu.memory_space<vmem>>) semaphore(%arg13 : memref<!tpu.dma_semaphore, #tpu.memory_space<semaphore_mem>>)
      } else {
      }
    }
    %scan3A_37 = arith.constant 25 : i32
    return
  }
}

</mosaic_0001>

<sc_bundles>
// kernel: kernel.3.cloned.1.call-start
scs
__scs_entry_jumppad:
0x0: {  	(pc) =	sbr.rel $0x88, $3  }
0x1: {  	(tag) =	ssettag $0x0;
	lr =	simm.s32 $0x1  }
0x2: {  	[smem:$0x3F9F] =	sst lr;
	_ =	strace $0xD0000000  }
0x3: {  	_ = 	snop  }
0x4: {  	_ = 	snop  }
0x5: {  	_ = 	snop  }
0x6: {  	_ = 	snop  }
0x7: {  	_ = 	snop  }
__scs_overlays_trampoline_lowered:
0x8: {  	[smem:$0x3FAE] =	sst s0  }
0x9: {  	[smem:$0x3FAF] =	sst s1  }
0xa: {  	[smem:$0x3FB0] =	sst s2  }
0xb: {  	[smem:$0x3FB1] =	sst s3  }
0xc: {  	[smem:$0x3FB2] =	sst s4  }
0xd: {  	[smem:$0x3FB3] =	sst s5  }
0xe: {  	[smem:$0x3FB4] =	sst s6  }
0xf: {  	[smem:$0x3FB5] =	sst s7  }
0x10: {  	[smem:$0x3FB6] =	sst s8  }
0x11: {  	[smem:$0x3FB7] =	sst s9;
	s0 =	simm.s32 @!p0 $0x0  }
0x12: {  	s1 =	sld [smem:$0x3F9D];
	s0 =	simm.s32 @p0 $0x1  }
0x13: {  	[smem:$0x3FB8] =	sst s0;
	s0 =	simm.s32 @!p1 $0x0  }
0x14: {  	s2 =	sld [smem:$0x3F9C];
	s0 =	simm.s32 @p1 $0x1  }
0x15: {  	[smem:$0x3FB9] =	sst s0;
	s0 =	simm.s32 @!p2 $0x0  }
0x16: {  	s3 =	sld [smem:$0x3FDB];
	s0 =	simm.s32 @p2 $0x1  }
0x17: {  	s4 =	simm.s32 $0x1BF5;
	[smem:$0x3FBB] =	sst s0  }
0x18: {  	s0 =	sld [smem:$0x3F9E];
	_ =	swait.ge [sflag:s4], $0x0  }
0x19: {  	s7 =	sld [smem:$0x3F9F]  }
0x1a: {  	s8 =	sadd.s32 $0xFFFFE003, lr  }
0x1b: {  	s9 =	sadd.s32 $0xFFFFFEF7, lr;
	s5 =	simm.s32 $0xFFFFFFFF;
	p2 =	slt.u32 s8, $0xFFFFF086  }
0x1c: {  	p1 =	slt.u32 s9, $0xF7A;
	s5 =	simm.s32 @!p2 $0x0  }
0x1d: {  	s5 =	simm.s32 @p1 $0x1;
	p0 =	seq.s32 s7, s2  }
0x1e: {  	s7 =	smul.u32 @!p0 $0xF7A, s2;
	p2 =	seq.s32 @!p0 s5, $0x0  }
0x1f: {  	s9 =	smul.u32 $0xF7A, s1;
	s8 =	simm.s32 @!p0 $0x1BF5;
	p2 =	por !p2, p0  }
0x20: {  	[sflag:s8] =	ssyncset.s32 @!p0 $0xFFFFF086;
	s6 =	sadd.s32 @!p0 s3, s7;
	s7 =	simm.s32 @!p0 $0x108  }
0x21: {  	s3 =	sadd.s32 s3, s9;
	s6 =	sadd.s32 @!p0 $0x88, s6;
	s7 =	simm.s32 @p2 $0x1082  }
0x22: {  	[simem:s7], [sflag:s8] =	dma.local @!p0 [hbm:s6], $0xF7A  }
0x23: {  	s9 =	sor.u32 $0xD0000000, s2;
	s6 =	simm.s32 $0x108;
	_ =	swait.ge @!p0 [sflag:s8], $0x0  }
0x24: {  	s3 =	sadd.s32 $0x88, s3;
	s6 =	simm.s32 @!p1 $0x1082;
	[sflag:s4] =	ssyncset.s32 $0xFFFFF086  }
0x25: {  	[simem:s6], [sflag:s4] =	dma.local [hbm:s3], $0xF7A  }
0x26: {  	[smem:$0x3F9F] =	sst s1;
	(tag) =	ssettag s2;
	_ =	strace s9  }
0x27: {  	s1 =	sld [smem:$0x3FAF]  }
0x28: {  	s2 =	sld [smem:$0x3FB0]  }
0x29: {  	s4 =	sld [smem:$0x3FB2]  }
0x2a: {  	p0 =	seq.s32 s5, $0x0;
	s5 =	sld [smem:$0x3FB3]  }
0x2b: {  	s6 =	sld [smem:$0x3FB4]  }
0x2c: {  	s7 =	sld [smem:$0x3FB5]  }
0x2d: {  	s3 =	simm.s32 $0x108;
	s8 =	sld [smem:$0x3FB6]  }
0x2e: {  	s3 =	simm.s32 @!p0 $0x1082;
	s9 =	sld [smem:$0x3FB7]  }
0x2f: {  	lr =	sadd.s32 s0, s3;
	s0 =	sld [smem:$0x3FAE]  }
0x30: {  	s3 =	sld [smem:$0x3FB1]  }
0x31: {  	[smem:$0x3FBA] =	sst s10  }
0x32: {  	s10 =	sld [smem:$0x3FB8];
	_ =	sdelay $0x3  }
0x33: {  	p0 =	seq.s32 s10, $0x1;
	s10 =	sld [smem:$0x3FBA];
	_ =	sdelay $0x3  }
0x34: {  	[smem:$0x3FBA] =	sst s10  }
0x35: {  	s10 =	sld [smem:$0x3FB9];
	_ =	sdelay $0x3  }
0x36: {  	p1 =	seq.s32 s10, $0x1;
	s10 =	sld [smem:$0x3FBA];
	_ =	sdelay $0x3  }
0x37: {  	[smem:$0x3FBA] =	sst s10  }
0x38: {  	s10 =	sld [smem:$0x3FBB]  }
0x39: {  	_ = 	snop;
	(pc) =	sbr.ind lr, $3  }
0x3a: {  	_ = 	snop  }
0x3b: {  	_ = 	snop  }
0x3c: {  	p2 =	seq.s32 s10, $0x1;
	s10 =	sld [smem:$0x3FBA]  }
0x3d: {  	_ =	shalt  }
0x3e: {  	_ =	shalt  }
0x3f: {  	_ =	shalt  }
0x40: {  	_ =	shalt  }
0x41: {  	_ =	shalt  }
0x42: {  	_ =	shalt  }
0x43: {  	_ =	shalt  }
0x44: {  	_ =	shalt  }
0x45: {  	_ =	shalt  }
0x46: {  	_ =	shalt  }
0x47: {  	_ =	shalt  }
0x48: {  	_ =	shalt  }
0x49: {  	_ =	shalt  }
0x4a: {  	_ =	shalt  }
0x4b: {  	_ =	shalt  }
0x4c: {  	_ =	shalt  }
0x4d: {  	_ =	shalt  }
0x4e: {  	_ =	shalt  }
0x4f: {  	_ =	shalt  }
0x50: {  	_ =	shalt  }
0x51: {  	_ =	shalt  }
0x52: {  	_ =	shalt  }
0x53: {  	_ =	shalt  }
0x54: {  	_ =	shalt  }
0x55: {  	_ =	shalt  }
0x56: {  	_ =	shalt  }
0x57: {  	_ =	shalt  }
0x58: {  	_ =	shalt  }
0x59: {  	_ =	shalt  }
0x5a: {  	_ =	shalt  }
0x5b: {  	_ =	shalt  }
0x5c: {  	_ =	shalt  }
0x5d: {  	_ =	shalt  }
0x5e: {  	_ =	shalt  }
0x5f: {  	_ =	shalt  }
0x60: {  	_ =	shalt  }
0x61: {  	_ =	shalt  }
0x62: {  	_ =	shalt  }
0x63: {  	_ =	shalt  }
0x64: {  	_ =	shalt  }
0x65: {  	_ =	shalt  }
0x66: {  	_ =	shalt  }
0x67: {  	_ =	shalt  }
0x68: {  	_ =	shalt  }
0x69: {  	_ =	shalt  }
0x6a: {  	_ =	shalt  }
0x6b: {  	_ =	shalt  }
0x6c: {  	_ =	shalt  }
0x6d: {  	_ =	shalt  }
0x6e: {  	_ =	shalt  }
0x6f: {  	_ =	shalt  }
0x70: {  	_ =	shalt  }
0x71: {  	_ =	shalt  }
0x72: {  	_ =	shalt  }
0x73: {  	_ =	shalt  }
0x74: {  	_ =	shalt  }
0x75: {  	_ =	shalt  }
0x76: {  	_ =	shalt  }
0x77: {  	_ =	shalt  }
0x78: {  	_ =	shalt  }
0x79: {  	_ =	shalt  }
0x7a: {  	_ =	shalt  }
0x7b: {  	_ =	shalt  }
0x7c: {  	_ =	shalt  }
0x7d: {  	_ =	shalt  }
0x7e: {  	_ =	shalt  }
0x7f: {  	_ =	shalt  }
0x80: {  	_ =	shalt  }
0x81: {  	_ =	shalt  }
0x82: {  	_ =	shalt  }
0x83: {  	_ =	shalt  }
0x84: {  	_ =	shalt  }
0x85: {  	_ =	shalt  }
0x86: {  	_ =	shalt  }
0x87: {  	_ =	shalt  }
.Lfunc_end0:
.L_simem_size_0:
called_computation.1_lowered:
.L_overlay_start_0:
0x88: {  	s2 =	sld [smem:$0x3FD9]  }
0x89: {  	s3 =	sld [smem:$0x3FFE];
	_ =	sdelay $0x1  }
0x8a: {  	s1 =	srdreg.scid  }
0x8b: {  	s0 =	sand.u32 $0x1, s1  }
0x8c: {  	s14 =	sshll.u32 s0, $0xA;
	s2 =	sadd.s32 s3, s2  }
0x8d: {  	s2 =	sadd.s32 s2, s14  }
0x8e: {  	[smem:$0x3FC6] =	sst s2  }
0x8f: {  	_ = 	snop  }
0x90: {  	s2 =	sld [smem:$0x3FD0];
	_ =	sdelay $0x2  }
0x91: {  	s15 =	simm.s32 $0xA;
	s4 =	simm.s32 $0x10  }
0x92: {  	[smem:s4], [sflag:s15] =	dma.local [hbm:s2], $0x1  }
0x93: {  	_ =	swait.eq [sflag:s15], $0x1  }
0x94: {  	[sflag:s15] =	ssyncset.done $0x0  }
0x95: {  	s16 =	sld [smem:$0x10];
	[sflag:s15] =	ssyncadd.s32 $0xFFFFFFFF  }
0x96: {  	s17 =	sld [smem:$0x11];
	(tm) =	ssettm $0x1  }
0x97: {  	s18 =	sld [smem:$0x3FFB];
	_ =	sdelay $0x3  }
0x98: {  	_ =	strace s18  }
0x99: {  	s4 =	sld [smem:$0x3FFC];
	_ =	sdelay $0x3  }
0x9a: {  	_ =	strace s4  }
0x9b: {  	s4 =	sld [smem:$0x3FFD];
	_ =	sdelay $0x3  }
0x9c: {  	_ =	strace s4  }
0x9d: {  	_ =	strace $0x8FFFFFFF  }
0x9e: {  	s19 =	sld [smem:$0x3FDB];
	_ =	sdelay $0x1  }
0x9f: {  	s5 =	simm.s32 $_scs_section_size  }
0xa0: {  	s6 =	simm.s32 $_size__tile_overlayer_lowered;
	s7 =	simm.s32 $_tile_overlayer_lowered  }
0xa1: {  	s22 =	simm.s32 $0x1BFF;
	s21 =	sshll.u32 s7, $0x1;
	s4 =	sadd.s32 s5, s19  }
0xa2: {  	s8 =	simm.s32 $0x0;
	s20 =	sshll.u32 s6, $0x1;
	s6 =	sadd.s32 s21, s4  }
0xa3: {  	[timem:s8], [sflag:s22] =	dma.local [hbm:s6], s20  }
0xa4: {  	_ =	swait.ge [sflag:s22], s20  }
0xa5: {  	s5 =	ssub.s32 $0x0, s20;
	[sflag:s22] =	ssyncset.done $0x0  }
0xa6: {  	[sflag:s22] =	ssyncadd.s32 s5;
	_ =	sdelay $0x1  }
0xa7: {  	s23 =	simm.s32 $0x1B8B  }
0xa8: {  	_ =	swait.ge [sflag:s23], $0x1  }
0xa9: {  	[sflag:s23] =	ssyncset.done $0x0  }
0xaa: {  	s25 =	simm.s32 $0x1B8E;
	s24 =	sld [smem:$0x3FFE];
	[sflag:s23] =	ssyncadd.s32 $0xFFFFFFFF  }
0xab: {  	s26 =	simm.s32 $execute0_lowered;
	[smem:$0x3FD2] =	sst s25  }
0xac: {  	s6 =	sshll.u32 s26, $0x1;
	_ =	strace $0x80000046;
	[dreg:$0x1] =	wrdreg $0xFFFFFFFF  }
0xad: {  	s28 =	simm.s32 $_size_execute0_lowered;
	s4 =	sadd.s32 s4, s6;
	[dreg:$0x0] =	wrdreg $0x0  }
0xae: {  	s6 =	sshll.u32 s28, $0x1;
	[dreg:$0x2] =	wrdreg s4  }
0xaf: {  	[dreg:$0x3] =	wrdreg s6  }
0xb0: {  	[dreg:$0x4] =	wrdreg $0xC0  }
0xb1: {  	_ =	task [dreg:s8], $0x5FFFF  }
0xb2: {  	[dreg:$0x1] =	wrdreg $0xFFFFFFFF  }
0xb3: {  	[dreg:$0x0] =	wrdreg $0x60  }
0xb4: {  	[dreg:$0x2] =	wrdreg s16  }
0xb5: {  	[dreg:$0x3] =	wrdreg s24  }
0xb6: {  	[dreg:$0x4] =	wrdreg s17  }
0xb7: {  	[dreg:$0x5] =	wrdreg $0x9  }
0xb8: {  	_ =	task.clear_ibuf [dreg:s8], $0x6FFFF;
	_ =	strace $0x90000046  }
0xb9: {  	s29 =	simm.s32 $0x9;
	_ =	strace $0x80000048  }
0xba: {  	_ =	swait.ge [sflag:s29], $0x1  }
0xbb: {  	[sflag:s29] =	ssyncadd.s32 $0xFFFFFFFF  }
0xbc: {  	_ =	strace $0x90000048  }
0xbd: {  	_ =	sfence  }
0xbe: {  	s30 =	sld [smem:$0x0];
	_ =	sdelay $0x2  }
0xbf: {  	s31 =	sshll.u32 s1, $0xD;
	s1 =	sshrl.u32 s1, $0x2  }
0xc0: {  	s3 =	sand.u32 $0x4000, s31;
	s1 =	sadd.s32 s1, s30  }
0xc1: {  	s0 =	sor.u32 s3, s0;
	s1 =	sshll.u32 s1, $0x11  }
0xc2: {  	s0 =	sor.u32 s1, s0  }
0xc3: {  	s0 =	sadd.s32 $0x8F2B, s0  }
0xc4: {  	[sflag:s0] =	ssyncadd.remote.s32 $0x1  }
0xc5: {  	_ =	sfence.sel $0xFFFF  }
0xc6: {  	[dreg:$0x0] =	wrdreg $0xFFFFFFFF;
	(pc) =	sbr.abs _section_cstart, $3  }
0xc7: {  	[dreg:$0x1] =	wrdreg $0xFFFFFFFF  }
0xc8: {  	_ =	task.clear_ibuf [dreg:s8], $0x2FFFF;
	_ =	strace $0x9FFFFFFF  }
0xc9: {  	(tm) =	ssettm $0x7FFFFFFF  }
tec
execute0_lowered:
.L_overlay_start_1:
0x0: {  	(tag) =	ssettag $0x1  }
0x1: {  	s1 =	rddreg [dreg:$0x0]  }
0x2: {  	s0 =	rddreg [dreg:$0x1]  }
0x3: {  	s2 =	rddreg [dreg:$0x2];
	s3 =	simm.s32 $0x0;
	s4 =	srdreg.scid  }
0x4: {  	s9 =	stileid.u32;
	s11 =	simm.s32 $0x1900;
	s17 =	simm.s32 $0xD900  }
0x5: {  	s12 =	simm.s32 $0x11D00;
	s13 =	simm.s32 $0x12900;
	s14 =	simm.s32 $0x13500  }
0x6: {  	s15 =	simm.s32 $0x14100;
	s16 =	simm.s32 $0x14D00;
	s18 =	simm.s32 $0x15900  }
0x7: {  	s19 =	simm.s32 $0x16500;
	s20 =	simm.s32 $0x17100;
	s21 =	simm.s32 $0x17D00  }
0x8: {  	s22 =	simm.s32 $0x18900;
	s23 =	simm.s32 $0x19500;
	s28 =	simm.s32 $0x5  }
0x9: {  	s29 =	simm.s32 $0x3;
	s30 =	simm.s32 $0x6;
	[smem:$0x7FF] =	sst s3  }
0xa: {  	s5 =	sand.u32 $0x1, s4;
	s6 =	sshrl.u32 s9, $0x2;
	s7 =	sshll.u32 s9, $0x8  }
0xb: {  	s4 =	sadd.s32 $0x187400, s0;
	s24 =	smul.u32 $0x96000, s9;
	s9 =	simm.s32 $0xED00  }
0xc: {  	_ =	strace $0x80000047;
	s8 =	sshll.u32 s5, $0x7;
	s6 =	smul.u32 $0xC800, s6  }
0xd: {  	s25 =	ssub.s32 $0x2, s5;
	s5 =	smul.u32 $0x4B000, s5;
	s7 =	sor.u32 s8, s7  }
0xe: {  	s10 =	sshrl.u32 s25, $0x1;
	s0 =	sadd.s32 s24, s0;
	s8 =	simm.s32 $0xE100  }
0xf: {  	s24 =	simm.s32 $0x1;
	s7 =	sand.u32 $0x380, s7;
	s26 =	ssub.s32 s25, s10  }
.Ltmp0:
0x10: {  	s0 =	sadd.s32 s5, s0;
	s5 =	simm.s32 $0xF900;
	(pc) =	sbr.rel .LBB2_1-.Ltmp0, $4  }
0x11: {  	s10 =	simm.s32 $0x11100;
	s25 =	simm.s32 $0x2;
	s6 =	sor.u32 s6, s7  }
0x12: {  	v2 =	vlaneseq.u32;
	s31 =	smax.u32 s26, $0x1;
	s7 =	sadd.s32 $0x30DE00, s0;
	s6 =	sshrl.u32 s6, $0x3  }
0x13: {  	vm0 =	vmmov $0xffff;
	vm1 =	vmmov $0xff;
	v1 =	vshrl.u32 v2, $0x3;
	s26 =	simm.s32 $0x4;
	[dreg:$0x5] =	wrdreg s31;
	s2 =	sadd.s32 s2, s6  }
0x14: {  	v0 =	vand.u32 $0x7, v2;
	v2 =	vor.u32 $0x8, v2;
	v1 =	vmul.u32 $0x8, v1;
	s6 =	simm.s32 $0x10500;
	[dreg:$0x4] =	wrdreg s2;
	s2 =	simm.s32 $0x0  }
.LBB2_4:
0x15: {  	_ =	swait.ge [sflag:s30], $0xC000  }
0x16: {  	s2 =	rddreg [dreg:$0x6]  }
0x17: {  	s0 =	rddreg [dreg:$0x5];
	s2 =	sadd.s32 $0x1, s2  }
0x18: {  	p0 =	sne.s32 s2, s0  }
.Ltmp1:
0x19: {  	_ = 	snop;
	(pc) =	sbr.rel @!p0 .LBB2_5-.Ltmp1, $3  }
0x1a: {  	_ =	sdelay $0x1  }
0x1b: {  	[sflag:s30] =	ssyncset.done $0x0  }
0x1c: {  	[sflag:s30] =	ssyncadd.s32 $0xFFFF4000  }
.LBB2_1:
0x1d: {  	[dreg:$0x6] =	wrdreg s2  }
0x1e: {  	s0 =	rddreg [dreg:$0x4];
	s2 =	simm.s32 $0x80;
	s31 =	simm.s32 $0x400  }
0x1f: {  	[tilespmem:s3], [sflag:$0x7] =	stream.strided.gather [hbm4b:s0+s2], $0x1900, s31, s2, $0x38;
	[tilespmem:$0x19900] =	vst v63  }
0x20: {  	s2 =	simm.s32 $0x7  }
0x21: {  	_ =	swait.ge [sflag:s2], $0x1900  }
0x22: {  	[sflag:s2] =	ssyncset.done $0x0  }
0x23: {  	[sflag:s2] =	ssyncadd.s32 $0xFFFFE700  }
0x24: {  	v3 =	vld [tilespmem:$0x0];
	_ =	sdelay $0x4  }
0x25: {  	v4 =	vshrl.u32 v3, $0x3  }
0x26: {  	v4 =	vmul.u32 $0x18, v4  }
0x27: {  	v3 =	vand.u32 $0x7, v3  }
0x28: {  	v3 =	vor.u32 v3, v4  }
0x29: {  	v4 =	vperm.xlane v3, v0;
	_ =	sdelay $0x1  }
0x2a: {  	v3 =	vperm.xlane v3, v2;
	v4 =	vadd.s32 v1, v4;
	_ =	sdelay $0x1  }
0x2b: {  	v3 =	vadd.s32 v1, v3;
	_ =	sdelay $0x2  }
0x2c: {  	[tilespmem:s11], [sflag:$0x1] =	stream.indirect_vreg.gather [hbm4b:s1+s3], $0x80, v4, vm0, $0xb8;
	[tilespmem:$0x19900] =	vst v63  }
0x2d: {  	s2 =	simm.s32 $0x2500  }
0x2e: {  	[tilespmem:s2], [sflag:$0x1] =	stream.indirect_vreg.gather [hbm4b:s1+s3], $0x80, v3, vm0, $0xb8;
	[tilespmem:$0x19900] =	vst v63  }
0x2f: {  	v3 =	vld [tilespmem:$0x10];
	_ =	sdelay $0x4  }
0x30: {  	v33 =	vshrl.u32 v3, $0x3  }
0x31: {  	v4 =	vmul.u32 $0x18, v33  }
0x32: {  	v3 =	vand.u32 $0x7, v3  }
0x33: {  	v3 =	vor.u32 v3, v4  }
0x34: {  	v4 =	vperm.xlane v3, v0;
	_ =	sdelay $0x1  }
0x35: {  	v3 =	vperm.xlane v3, v2;
	v4 =	vadd.s32 v1, v4;
	_ =	sdelay $0x1  }
0x36: {  	v3 =	vadd.s32 v1, v3;
	_ =	sdelay $0x1  }
0x37: {  	s2 =	simm.s32 $0x3100  }
0x38: {  	[tilespmem:s2], [sflag:$0x1] =	stream.indirect_vreg.gather [hbm4b:s1+s3], $0x80, v4, vm0, $0xb8;
	[tilespmem:$0x19900] =	vst v63  }
0x39: {  	s2 =	simm.s32 $0x3D00  }
0x3a: {  	[tilespmem:s2], [sflag:$0x1] =	stream.indirect_vreg.gather [hbm4b:s1+s3], $0x80, v3, vm0, $0xb8;
	[tilespmem:$0x19900] =	vst v63  }
0x3b: {  	v3 =	vld [tilespmem:$0x20];
	_ =	sdelay $0x4  }
0x3c: {  	v34 =	vshrl.u32 v3, $0x3  }
0x3d: {  	v4 =	vmul.u32 $0x18, v34  }
0x3e: {  	v3 =	vand.u32 $0x7, v3  }
0x3f: {  	v3 =	vor.u32 v3, v4  }
0x40: {  	v4 =	vperm.xlane v3, v0;
	_ =	sdelay $0x1  }
0x41: {  	v3 =	vperm.xlane v3, v2;
	v4 =	vadd.s32 v1, v4;
	_ =	sdelay $0x1  }
0x42: {  	v3 =	vadd.s32 v1, v3;
	_ =	sdelay $0x1  }
0x43: {  	s2 =	simm.s32 $0x4900  }
0x44: {  	[tilespmem:s2], [sflag:$0x1] =	stream.indirect_vreg.gather [hbm4b:s1+s3], $0x80, v4, vm0, $0xb8;
	[tilespmem:$0x19900] =	vst v63  }
0x45: {  	s2 =	simm.s32 $0x5500  }
0x46: {  	[tilespmem:s2], [sflag:$0x1] =	stream.indirect_vreg.gather [hbm4b:s1+s3], $0x80, v3, vm0, $0xb8;
	[tilespmem:$0x19900] =	vst v63  }
0x47: {  	v3 =	vld [tilespmem:$0x30];
	_ =	sdelay $0x4  }
0x48: {  	v35 =	vshrl.u32 v3, $0x3  }
0x49: {  	v4 =	vmul.u32 $0x18, v35  }
0x4a: {  	v3 =	vand.u32 $0x7, v3  }
0x4b: {  	v3 =	vor.u32 v3, v4  }
0x4c: {  	v4 =	vperm.xlane v3, v0;
	_ =	sdelay $0x1  }
0x4d: {  	v3 =	vperm.xlane v3, v2;
	v4 =	vadd.s32 v1, v4;
	_ =	sdelay $0x1  }
0x4e: {  	v3 =	vadd.s32 v1, v3;
	_ =	sdelay $0x1  }
0x4f: {  	s2 =	simm.s32 $0x6100  }
0x50: {  	[tilespmem:s2], [sflag:$0x1] =	stream.indirect_vreg.gather [hbm4b:s1+s3], $0x80, v4, vm0, $0xb8;
	[tilespmem:$0x19900] =	vst v63  }
0x51: {  	s2 =	simm.s32 $0x6D00  }
0x52: {  	[tilespmem:s2], [sflag:$0x1] =	stream.indirect_vreg.gather [hbm4b:s1+s3], $0x80, v3, vm0, $0xb8;
	[tilespmem:$0x19900] =	vst v63  }
0x53: {  	v3 =	vld [tilespmem:$0x40];
	_ =	sdelay $0x4  }
0x54: {  	v36 =	vshrl.u32 v3, $0x3  }
0x55: {  	v4 =	vmul.u32 $0x18, v36  }
0x56: {  	v3 =	vand.u32 $0x7, v3  }
0x57: {  	v3 =	vor.u32 v3, v4  }
0x58: {  	v4 =	vperm.xlane v3, v0;
	_ =	sdelay $0x1  }
0x59: {  	v3 =	vperm.xlane v3, v2;
	v4 =	vadd.s32 v1, v4;
	_ =	sdelay $0x1  }
0x5a: {  	v3 =	vadd.s32 v1, v3;
	_ =	sdelay $0x1  }
0x5b: {  	s2 =	simm.s32 $0x7900  }
0x5c: {  	[tilespmem:s2], [sflag:$0x1] =	stream.indirect_vreg.gather [hbm4b:s1+s3], $0x80, v4, vm0, $0xb8;
	[tilespmem:$0x19900] =	vst v63  }
0x5d: {  	s2 =	simm.s32 $0x8500  }
0x5e: {  	[tilespmem:s2], [sflag:$0x1] =	stream.indirect_vreg.gather [hbm4b:s1+s3], $0x80, v3, vm0, $0xb8;
	[tilespmem:$0x19900] =	vst v63  }
0x5f: {  	v3 =	vld [tilespmem:$0x50];
	_ =	sdelay $0x4  }
0x60: {  	v37 =	vshrl.u32 v3, $0x3  }
0x61: {  	v4 =	vmul.u32 $0x18, v37  }
0x62: {  	v3 =	vand.u32 $0x7, v3  }
0x63: {  	v3 =	vor.u32 v3, v4  }
0x64: {  	v4 =	vperm.xlane v3, v0;
	_ =	sdelay $0x1  }
0x65: {  	v3 =	vperm.xlane v3, v2;
	v4 =	vadd.s32 v1, v4;
	_ =	sdelay $0x1  }
0x66: {  	v3 =	vadd.s32 v1, v3;
	_ =	sdelay $0x1  }
0x67: {  	s2 =	simm.s32 $0x9100  }
0x68: {  	[tilespmem:s2], [sflag:$0x1] =	stream.indirect_vreg.gather [hbm4b:s1+s3], $0x80, v4, vm0, $0xb8;
	[tilespmem:$0x19900] =	vst v63  }
0x69: {  	s2 =	simm.s32 $0x9D00  }
0x6a: {  	[tilespmem:s2], [sflag:$0x1] =	stream.indirect_vreg.gather [hbm4b:s1+s3], $0x80, v3, vm0, $0xb8;
	[tilespmem:$0x19900] =	vst v63  }
0x6b: {  	v3 =	vld [tilespmem:$0x60];
	_ =	sdelay $0x4  }
0x6c: {  	v38 =	vshrl.u32 v3, $0x3  }
0x6d: {  	v4 =	vmul.u32 $0x18, v38  }
0x6e: {  	v3 =	vand.u32 $0x7, v3  }
0x6f: {  	v3 =	vor.u32 v3, v4  }
0x70: {  	v4 =	vperm.xlane v3, v0;
	_ =	sdelay $0x1  }
0x71: {  	v3 =	vperm.xlane v3, v2;
	v4 =	vadd.s32 v1, v4;
	_ =	sdelay $0x1  }
0x72: {  	v3 =	vadd.s32 v1, v3;
	_ =	sdelay $0x1  }
0x73: {  	s2 =	simm.s32 $0xA900  }
0x74: {  	[tilespmem:s2], [sflag:$0x1] =	stream.indirect_vreg.gather [hbm4b:s1+s3], $0x80, v4, vm0, $0xb8;
	[tilespmem:$0x19900] =	vst v63  }
0x75: {  	s2 =	simm.s32 $0xB500  }
0x76: {  	[tilespmem:s2], [sflag:$0x1] =	stream.indirect_vreg.gather [hbm4b:s1+s3], $0x80, v3, vm0, $0xb8;
	[tilespmem:$0x19900] =	vst v63  }
0x77: {  	v3 =	vld [tilespmem:$0x70];
	_ =	sdelay $0x4  }
0x78: {  	v39 =	vshrl.u32 v3, $0x3  }
0x79: {  	v4 =	vmul.u32 $0x18, v39  }
0x7a: {  	v3 =	vand.u32 $0x7, v3  }
0x7b: {  	v3 =	vor.u32 v3, v4  }
0x7c: {  	v4 =	vperm.xlane v3, v0;
	_ =	sdelay $0x1  }
0x7d: {  	v3 =	vperm.xlane v3, v2;
	v4 =	vadd.s32 v1, v4;
	_ =	sdelay $0x1  }
0x7e: {  	v3 =	vadd.s32 v1, v3;
	_ =	sdelay $0x1  }
0x7f: {  	s2 =	simm.s32 $0xC100  }
0x80: {  	[tilespmem:s2], [sflag:$0x1] =	stream.indirect_vreg.gather [hbm4b:s1+s3], $0x80, v4, vm0, $0xb8;
	[tilespmem:$0x19900] =	vst v63  }
0x81: {  	s2 =	simm.s32 $0xCD00  }
0x82: {  	[tilespmem:s2], [sflag:$0x1] =	stream.indirect_vreg.gather [hbm4b:s1+s3], $0x80, v3, vm0, $0xb8;
	[tilespmem:$0x19900] =	vst v63  }
0x83: {  	v3 =	vld [tilespmem:$0x0];
	_ =	sdelay $0x4  }
0x84: {  	v40 =	vperm.xlane v3, v0;
	_ =	sdelay $0x1  }
0x85: {  	v3 =	vperm.xlane v3, v2;
	v4 =	vadd.s32 v1, v40;
	_ =	sdelay $0x1  }
0x86: {  	v3 =	vadd.s32 v1, v3;
	_ =	sdelay $0x1  }
0x87: {  	s2 =	simm.s32 $0x2100  }
0x88: {  	[tilespmem:s2], [sflag:$0x2] =	stream.indirect_vreg.gather [hbm4b:s4+s3], $0x80, v4, vm1, $0xb8;
	[tilespmem:$0x19900] =	vst v63  }
0x89: {  	s2 =	simm.s32 $0x2D00  }
0x8a: {  	[tilespmem:s2], [sflag:$0x2] =	stream.indirect_vreg.gather [hbm4b:s4+s3], $0x80, v3, vm1, $0xb8;
	[tilespmem:$0x19900] =	vst v63  }
0x8b: {  	v3 =	vld [tilespmem:$0x10];
	_ =	sdelay $0x4  }
0x8c: {  	v41 =	vperm.xlane v3, v0;
	_ =	sdelay $0x1  }
0x8d: {  	v3 =	vperm.xlane v3, v2;
	v4 =	vadd.s32 v1, v41;
	_ =	sdelay $0x1  }
0x8e: {  	v3 =	vadd.s32 v1, v3;
	_ =	sdelay $0x1  }
0x8f: {  	s2 =	simm.s32 $0x3900  }
0x90: {  	[tilespmem:s2], [sflag:$0x2] =	stream.indirect_vreg.gather [hbm4b:s4+s3], $0x80, v4, vm1, $0xb8;
	[tilespmem:$0x19900] =	vst v63  }
0x91: {  	s2 =	simm.s32 $0x4500  }
0x92: {  	[tilespmem:s2], [sflag:$0x2] =	stream.indirect_vreg.gather [hbm4b:s4+s3], $0x80, v3, vm1, $0xb8;
	[tilespmem:$0x19900] =	vst v63  }
0x93: {  	v3 =	vld [tilespmem:$0x20];
	_ =	sdelay $0x4  }
0x94: {  	v42 =	vperm.xlane v3, v0;
	_ =	sdelay $0x1  }
0x95: {  	v3 =	vperm.xlane v3, v2;
	v4 =	vadd.s32 v1, v42;
	_ =	sdelay $0x1  }
0x96: {  	v3 =	vadd.s32 v1, v3;
	_ =	sdelay $0x1  }
0x97: {  	s2 =	simm.s32 $0x5100  }
0x98: {  	[tilespmem:s2], [sflag:$0x2] =	stream.indirect_vreg.gather [hbm4b:s4+s3], $0x80, v4, vm1, $0xb8;
	[tilespmem:$0x19900] =	vst v63  }
0x99: {  	s2 =	simm.s32 $0x5D00  }
0x9a: {  	[tilespmem:s2], [sflag:$0x2] =	stream.indirect_vreg.gather [hbm4b:s4+s3], $0x80, v3, vm1, $0xb8;
	[tilespmem:$0x19900] =	vst v63  }
0x9b: {  	v3 =	vld [tilespmem:$0x30];
	_ =	sdelay $0x4  }
0x9c: {  	v43 =	vperm.xlane v3, v0;
	_ =	sdelay $0x1  }
0x9d: {  	v3 =	vperm.xlane v3, v2;
	v4 =	vadd.s32 v1, v43;
	_ =	sdelay $0x1  }
0x9e: {  	v3 =	vadd.s32 v1, v3;
	_ =	sdelay $0x1  }
0x9f: {  	s2 =	simm.s32 $0x6900  }
0xa0: {  	[tilespmem:s2], [sflag:$0x2] =	stream.indirect_vreg.gather [hbm4b:s4+s3], $0x80, v4, vm1, $0xb8;
	[tilespmem:$0x19900] =	vst v63  }
0xa1: {  	s2 =	simm.s32 $0x7500  }
0xa2: {  	[tilespmem:s2], [sflag:$0x2] =	stream.indirect_vreg.gather [hbm4b:s4+s3], $0x80, v3, vm1, $0xb8;
	[tilespmem:$0x19900] =	vst v63  }
0xa3: {  	v3 =	vld [tilespmem:$0x40];
	_ =	sdelay $0x4  }
0xa4: {  	v44 =	vperm.xlane v3, v0;
	_ =	sdelay $0x1  }
0xa5: {  	v3 =	vperm.xlane v3, v2;
	v4 =	vadd.s32 v1, v44;
	_ =	sdelay $0x1  }
0xa6: {  	v3 =	vadd.s32 v1, v3;
	_ =	sdelay $0x1  }
0xa7: {  	s2 =	simm.s32 $0x8100  }
0xa8: {  	[tilespmem:s2], [sflag:$0x2] =	stream.indirect_vreg.gather [hbm4b:s4+s3], $0x80, v4, vm1, $0xb8;
	[tilespmem:$0x19900] =	vst v63  }
0xa9: {  	s2 =	simm.s32 $0x8D00  }
0xaa: {  	[tilespmem:s2], [sflag:$0x2] =	stream.indirect_vreg.gather [hbm4b:s4+s3], $0x80, v3, vm1, $0xb8;
	[tilespmem:$0x19900] =	vst v63  }
0xab: {  	v3 =	vld [tilespmem:$0x50];
	_ =	sdelay $0x4  }
0xac: {  	v45 =	vperm.xlane v3, v0;
	_ =	sdelay $0x1  }
0xad: {  	v3 =	vperm.xlane v3, v2;
	v4 =	vadd.s32 v1, v45;
	_ =	sdelay $0x1  }
0xae: {  	v3 =	vadd.s32 v1, v3;
	_ =	sdelay $0x1  }
0xaf: {  	s2 =	simm.s32 $0x9900  }
0xb0: {  	[tilespmem:s2], [sflag:$0x2] =	stream.indirect_vreg.gather [hbm4b:s4+s3], $0x80, v4, vm1, $0xb8;
	[tilespmem:$0x19900] =	vst v63  }
0xb1: {  	s2 =	simm.s32 $0xA500  }
0xb2: {  	[tilespmem:s2], [sflag:$0x2] =	stream.indirect_vreg.gather [hbm4b:s4+s3], $0x80, v3, vm1, $0xb8;
	[tilespmem:$0x19900] =	vst v63  }
0xb3: {  	v3 =	vld [tilespmem:$0x60];
	_ =	sdelay $0x4  }
0xb4: {  	v46 =	vperm.xlane v3, v0;
	_ =	sdelay $0x1  }
0xb5: {  	v3 =	vperm.xlane v3, v2;
	v4 =	vadd.s32 v1, v46;
	_ =	sdelay $0x1  }
0xb6: {  	v3 =	vadd.s32 v1, v3;
	_ =	sdelay $0x1  }
0xb7: {  	s2 =	simm.s32 $0xB100  }
0xb8: {  	[tilespmem:s2], [sflag:$0x2] =	stream.indirect_vreg.gather [hbm4b:s4+s3], $0x80, v4, vm1, $0xb8;
	[tilespmem:$0x19900] =	vst v63  }
0xb9: {  	s2 =	simm.s32 $0xBD00  }
0xba: {  	[tilespmem:s2], [sflag:$0x2] =	stream.indirect_vreg.gather [hbm4b:s4+s3], $0x80, v3, vm1, $0xb8;
	[tilespmem:$0x19900] =	vst v63  }
0xbb: {  	v3 =	vld [tilespmem:$0x70];
	_ =	sdelay $0x4  }
0xbc: {  	v47 =	vperm.xlane v3, v0;
	_ =	sdelay $0x1  }
0xbd: {  	v3 =	vperm.xlane v3, v2;
	v4 =	vadd.s32 v1, v47;
	_ =	sdelay $0x1  }
0xbe: {  	v3 =	vadd.s32 v1, v3;
	_ =	sdelay $0x1  }
0xbf: {  	s2 =	simm.s32 $0xC900  }
0xc0: {  	[tilespmem:s2], [sflag:$0x2] =	stream.indirect_vreg.gather [hbm4b:s4+s3], $0x80, v4, vm1, $0xb8;
	[tilespmem:$0x19900] =	vst v63  }
0xc1: {  	s2 =	simm.s32 $0xD500  }
0xc2: {  	[tilespmem:s2], [sflag:$0x2] =	stream.indirect_vreg.gather [hbm4b:s4+s3], $0x80, v3, vm1, $0xb8;
	[tilespmem:$0x19900] =	vst v63  }
0xc3: {  	v3 =	vld [tilespmem:$0x80];
	_ =	sdelay $0x4  }
0xc4: {  	v48 =	vshrl.u32 v3, $0x3  }
0xc5: {  	v4 =	vmul.u32 $0x18, v48  }
0xc6: {  	v3 =	vand.u32 $0x7, v3  }
0xc7: {  	v3 =	vor.u32 v3, v4  }
0xc8: {  	v4 =	vperm.xlane v3, v0;
	_ =	sdelay $0x1  }
0xc9: {  	v3 =	vperm.xlane v3, v2;
	v4 =	vadd.s32 v1, v4;
	_ =	sdelay $0x1  }
0xca: {  	v3 =	vadd.s32 v1, v3;
	_ =	sdelay $0x2  }
0xcb: {  	[tilespmem:s17], [sflag:$0x4] =	stream.indirect_vreg.gather [hbm4b:s1+s3], $0x80, v4, vm0, $0xb8;
	[tilespmem:$0x19900] =	vst v63  }
0xcc: {  	s2 =	simm.s32 $0xE500  }
0xcd: {  	[tilespmem:s2], [sflag:$0x4] =	stream.indirect_vreg.gather [hbm4b:s1+s3], $0x80, v3, vm0, $0xb8;
	[tilespmem:$0x19900] =	vst v63  }
0xce: {  	v3 =	vld [tilespmem:$0x90];
	_ =	sdelay $0x4  }
0xcf: {  	v49 =	vshrl.u32 v3, $0x3  }
0xd0: {  	v4 =	vmul.u32 $0x18, v49  }
0xd1: {  	v3 =	vand.u32 $0x7, v3  }
0xd2: {  	v3 =	vor.u32 v3, v4  }
0xd3: {  	v4 =	vperm.xlane v3, v0;
	_ =	sdelay $0x1  }
0xd4: {  	v3 =	vperm.xlane v3, v2;
	v4 =	vadd.s32 v1, v4;
	_ =	sdelay $0x1  }
0xd5: {  	v3 =	vadd.s32 v1, v3;
	_ =	sdelay $0x1  }
0xd6: {  	s2 =	simm.s32 $0xF100  }
0xd7: {  	[tilespmem:s2], [sflag:$0x4] =	stream.indirect_vreg.gather [hbm4b:s1+s3], $0x80, v4, vm0, $0xb8;
	[tilespmem:$0x19900] =	vst v63  }
0xd8: {  	s2 =	simm.s32 $0xFD00  }
0xd9: {  	[tilespmem:s2], [sflag:$0x4] =	stream.indirect_vreg.gather [hbm4b:s1+s3], $0x80, v3, vm0, $0xb8;
	[tilespmem:$0x19900] =	vst v63  }
0xda: {  	v3 =	vld [tilespmem:$0xA0];
	_ =	sdelay $0x4  }
0xdb: {  	v50 =	vshrl.u32 v3, $0x3  }
0xdc: {  	v4 =	vmul.u32 $0x18, v50  }
0xdd: {  	v3 =	vand.u32 $0x7, v3  }
0xde: {  	v3 =	vor.u32 v3, v4  }
0xdf: {  	v4 =	vperm.xlane v3, v0;
	_ =	sdelay $0x1  }
0xe0: {  	v3 =	vperm.xlane v3, v2;
	v4 =	vadd.s32 v1, v4;
	_ =	sdelay $0x1  }
0xe1: {  	v3 =	vadd.s32 v1, v3;
	_ =	sdelay $0x1  }
0xe2: {  	s2 =	simm.s32 $0x10900  }
0xe3: {  	[tilespmem:s2], [sflag:$0x4] =	stream.indirect_vreg.gather [hbm4b:s1+s3], $0x80, v4, vm0, $0xb8;
	[tilespmem:$0x19900] =	vst v63  }
0xe4: {  	s2 =	simm.s32 $0x11500  }
0xe5: {  	[tilespmem:s2], [sflag:$0x4] =	stream.indirect_vreg.gather [hbm4b:s1+s3], $0x80, v3, vm0, $0xb8;
	[tilespmem:$0x19900] =	vst v63  }
0xe6: {  	v3 =	vld [tilespmem:$0xB0];
	_ =	sdelay $0x4  }
0xe7: {  	v51 =	vshrl.u32 v3, $0x3  }
0xe8: {  	v4 =	vmul.u32 $0x18, v51  }
0xe9: {  	v3 =	vand.u32 $0x7, v3  }
0xea: {  	v3 =	vor.u32 v3, v4  }
0xeb: {  	v4 =	vperm.xlane v3, v0;
	_ =	sdelay $0x1  }
0xec: {  	v3 =	vperm.xlane v3, v2;
	v4 =	vadd.s32 v1, v4;
	_ =	sdelay $0x1  }
0xed: {  	v3 =	vadd.s32 v1, v3;
	_ =	sdelay $0x1  }
0xee: {  	s2 =	simm.s32 $0x12100  }
0xef: {  	[tilespmem:s2], [sflag:$0x4] =	stream.indirect_vreg.gather [hbm4b:s1+s3], $0x80, v4, vm0, $0xb8;
	[tilespmem:$0x19900] =	vst v63  }
0xf0: {  	s2 =	simm.s32 $0x12D00  }
0xf1: {  	[tilespmem:s2], [sflag:$0x4] =	stream.indirect_vreg.gather [hbm4b:s1+s3], $0x80, v3, vm0, $0xb8;
	[tilespmem:$0x19900] =	vst v63  }
0xf2: {  	v3 =	vld [tilespmem:$0xC0];
	_ =	sdelay $0x4  }
0xf3: {  	v52 =	vshrl.u32 v3, $0x3  }
0xf4: {  	v4 =	vmul.u32 $0x18, v52  }
0xf5: {  	v3 =	vand.u32 $0x7, v3  }
0xf6: {  	v3 =	vor.u32 v3, v4  }
0xf7: {  	v4 =	vperm.xlane v3, v0;
	_ =	sdelay $0x1  }
0xf8: {  	v3 =	vperm.xlane v3, v2;
	v4 =	vadd.s32 v1, v4;
	_ =	sdelay $0x1  }
0xf9: {  	v3 =	vadd.s32 v1, v3;
	_ =	sdelay $0x1  }
0xfa: {  	s2 =	simm.s32 $0x13900  }
0xfb: {  	[tilespmem:s2], [sflag:$0x4] =	stream.indirect_vreg.gather [hbm4b:s1+s3], $0x80, v4, vm0, $0xb8;
	[tilespmem:$0x19900] =	vst v63  }
0xfc: {  	s2 =	simm.s32 $0x14500  }
0xfd: {  	[tilespmem:s2], [sflag:$0x4] =	stream.indirect_vreg.gather [hbm4b:s1+s3], $0x80, v3, vm0, $0xb8;
	[tilespmem:$0x19900] =	vst v63  }
0xfe: {  	v3 =	vld [tilespmem:$0xD0];
	_ =	sdelay $0x4  }
0xff: {  	v53 =	vshrl.u32 v3, $0x3  }
0x100: {  	v4 =	vmul.u32 $0x18, v53  }
0x101: {  	v3 =	vand.u32 $0x7, v3  }
0x102: {  	v3 =	vor.u32 v3, v4  }
0x103: {  	v4 =	vperm.xlane v3, v0;
	_ =	sdelay $0x1  }
0x104: {  	v3 =	vperm.xlane v3, v2;
	v4 =	vadd.s32 v1, v4;
	_ =	sdelay $0x1  }
0x105: {  	v3 =	vadd.s32 v1, v3;
	_ =	sdelay $0x1  }
0x106: {  	s2 =	simm.s32 $0x15100  }
0x107: {  	[tilespmem:s2], [sflag:$0x4] =	stream.indirect_vreg.gather [hbm4b:s1+s3], $0x80, v4, vm0, $0xb8;
	[tilespmem:$0x19900] =	vst v63  }
0x108: {  	s2 =	simm.s32 $0x15D00  }
0x109: {  	[tilespmem:s2], [sflag:$0x4] =	stream.indirect_vreg.gather [hbm4b:s1+s3], $0x80, v3, vm0, $0xb8;
	[tilespmem:$0x19900] =	vst v63  }
0x10a: {  	v3 =	vld [tilespmem:$0xE0];
	_ =	sdelay $0x4  }
0x10b: {  	v54 =	vshrl.u32 v3, $0x3  }
0x10c: {  	v4 =	vmul.u32 $0x18, v54  }
0x10d: {  	v3 =	vand.u32 $0x7, v3  }
0x10e: {  	v3 =	vor.u32 v3, v4  }
0x10f: {  	v4 =	vperm.xlane v3, v0;
	_ =	sdelay $0x1  }
0x110: {  	v3 =	vperm.xlane v3, v2;
	v4 =	vadd.s32 v1, v4;
	_ =	sdelay $0x1  }
0x111: {  	v3 =	vadd.s32 v1, v3;
	_ =	sdelay $0x1  }
0x112: {  	s2 =	simm.s32 $0x16900  }
0x113: {  	[tilespmem:s2], [sflag:$0x4] =	stream.indirect_vreg.gather [hbm4b:s1+s3], $0x80, v4, vm0, $0xb8;
	[tilespmem:$0x19900] =	vst v63  }
0x114: {  	s2 =	simm.s32 $0x17500  }
0x115: {  	[tilespmem:s2], [sflag:$0x4] =	stream.indirect_vreg.gather [hbm4b:s1+s3], $0x80, v3, vm0, $0xb8;
	[tilespmem:$0x19900] =	vst v63  }
0x116: {  	v3 =	vld [tilespmem:$0xF0];
	_ =	sdelay $0x4  }
0x117: {  	v55 =	vshrl.u32 v3, $0x3  }
0x118: {  	v4 =	vmul.u32 $0x18, v55  }
0x119: {  	v3 =	vand.u32 $0x7, v3  }
0x11a: {  	v3 =	vor.u32 v3, v4  }
0x11b: {  	v4 =	vperm.xlane v3, v0;
	_ =	sdelay $0x1  }
0x11c: {  	v3 =	vperm.xlane v3, v2;
	v4 =	vadd.s32 v1, v4;
	_ =	sdelay $0x1  }
0x11d: {  	v3 =	vadd.s32 v1, v3;
	_ =	sdelay $0x1  }
0x11e: {  	s2 =	simm.s32 $0x18100  }
0x11f: {  	[tilespmem:s2], [sflag:$0x4] =	stream.indirect_vreg.gather [hbm4b:s1+s3], $0x80, v4, vm0, $0xb8;
	[tilespmem:$0x19900] =	vst v63  }
0x120: {  	s2 =	simm.s32 $0x18D00  }
0x121: {  	[tilespmem:s2], [sflag:$0x4] =	stream.indirect_vreg.gather [hbm4b:s1+s3], $0x80, v3, vm0, $0xb8;
	[tilespmem:$0x19900] =	vst v63  }
0x122: {  	v3 =	vld [tilespmem:$0x80];
	_ =	sdelay $0x4  }
0x123: {  	v56 =	vperm.xlane v3, v0;
	_ =	sdelay $0x1  }
0x124: {  	v3 =	vperm.xlane v3, v2;
	v4 =	vadd.s32 v1, v56;
	_ =	sdelay $0x1  }
0x125: {  	v3 =	vadd.s32 v1, v3;
	_ =	sdelay $0x2  }
0x126: {  	[tilespmem:s8], [sflag:$0x5] =	stream.indirect_vreg.gather [hbm4b:s4+s3], $0x80, v4, vm1, $0xb8;
	[tilespmem:$0x19900] =	vst v63  }
0x127: {  	_ = 	snop  }
0x128: {  	[tilespmem:s9], [sflag:$0x5] =	stream.indirect_vreg.gather [hbm4b:s4+s3], $0x80, v3, vm1, $0xb8;
	[tilespmem:$0x19900] =	vst v63  }
0x129: {  	v3 =	vld [tilespmem:$0x90];
	_ =	sdelay $0x4  }
0x12a: {  	v57 =	vperm.xlane v3, v0;
	_ =	sdelay $0x1  }
0x12b: {  	v3 =	vperm.xlane v3, v2;
	v4 =	vadd.s32 v1, v57;
	_ =	sdelay $0x1  }
0x12c: {  	v3 =	vadd.s32 v1, v3;
	_ =	sdelay $0x2  }
0x12d: {  	[tilespmem:s5], [sflag:$0x5] =	stream.indirect_vreg.gather [hbm4b:s4+s3], $0x80, v4, vm1, $0xb8;
	[tilespmem:$0x19900] =	vst v63  }
0x12e: {  	_ = 	snop  }
0x12f: {  	[tilespmem:s6], [sflag:$0x5] =	stream.indirect_vreg.gather [hbm4b:s4+s3], $0x80, v3, vm1, $0xb8;
	[tilespmem:$0x19900] =	vst v63  }
0x130: {  	v3 =	vld [tilespmem:$0xA0];
	_ =	sdelay $0x4  }
0x131: {  	v58 =	vperm.xlane v3, v0;
	_ =	sdelay $0x1  }
0x132: {  	v3 =	vperm.xlane v3, v2;
	v4 =	vadd.s32 v1, v58;
	_ =	sdelay $0x1  }
0x133: {  	v3 =	vadd.s32 v1, v3;
	_ =	sdelay $0x2  }
0x134: {  	[tilespmem:s10], [sflag:$0x5] =	stream.indirect_vreg.gather [hbm4b:s4+s3], $0x80, v4, vm1, $0xb8;
	[tilespmem:$0x19900] =	vst v63  }
0x135: {  	_ = 	snop  }
0x136: {  	[tilespmem:s12], [sflag:$0x5] =	stream.indirect_vreg.gather [hbm4b:s4+s3], $0x80, v3, vm1, $0xb8;
	[tilespmem:$0x19900] =	vst v63  }
0x137: {  	v3 =	vld [tilespmem:$0xB0];
	_ =	sdelay $0x4  }
0x138: {  	v59 =	vperm.xlane v3, v0;
	_ =	sdelay $0x1  }
0x139: {  	v3 =	vperm.xlane v3, v2;
	v4 =	vadd.s32 v1, v59;
	_ =	sdelay $0x1  }
0x13a: {  	v3 =	vadd.s32 v1, v3;
	_ =	sdelay $0x2  }
0x13b: {  	[tilespmem:s13], [sflag:$0x5] =	stream.indirect_vreg.gather [hbm4b:s4+s3], $0x80, v4, vm1, $0xb8;
	[tilespmem:$0x19900] =	vst v63  }
0x13c: {  	_ = 	snop  }
0x13d: {  	[tilespmem:s14], [sflag:$0x5] =	stream.indirect_vreg.gather [hbm4b:s4+s3], $0x80, v3, vm1, $0xb8;
	[tilespmem:$0x19900] =	vst v63  }
0x13e: {  	v3 =	vld [tilespmem:$0xC0];
	_ =	sdelay $0x4  }
0x13f: {  	v60 =	vperm.xlane v3, v0;
	_ =	sdelay $0x1  }
0x140: {  	v3 =	vperm.xlane v3, v2;
	v4 =	vadd.s32 v1, v60;
	_ =	sdelay $0x1  }
0x141: {  	v3 =	vadd.s32 v1, v3;
	_ =	sdelay $0x2  }
0x142: {  	[tilespmem:s15], [sflag:$0x5] =	stream.indirect_vreg.gather [hbm4b:s4+s3], $0x80, v4, vm1, $0xb8;
	[tilespmem:$0x19900] =	vst v63  }
0x143: {  	_ = 	snop  }
0x144: {  	[tilespmem:s16], [sflag:$0x5] =	stream.indirect_vreg.gather [hbm4b:s4+s3], $0x80, v3, vm1, $0xb8;
	[tilespmem:$0x19900] =	vst v63  }
0x145: {  	v3 =	vld [tilespmem:$0xD0];
	_ =	sdelay $0x4  }
0x146: {  	v61 =	vperm.xlane v3, v0;
	_ =	sdelay $0x1  }
0x147: {  	v3 =	vperm.xlane v3, v2;
	v4 =	vadd.s32 v1, v61;
	_ =	sdelay $0x1  }
0x148: {  	v3 =	vadd.s32 v1, v3;
	_ =	sdelay $0x2  }
0x149: {  	[tilespmem:s18], [sflag:$0x5] =	stream.indirect_vreg.gather [hbm4b:s4+s3], $0x80, v4, vm1, $0xb8;
	[tilespmem:$0x19900] =	vst v63  }
0x14a: {  	_ = 	snop  }
0x14b: {  	[tilespmem:s19], [sflag:$0x5] =	stream.indirect_vreg.gather [hbm4b:s4+s3], $0x80, v3, vm1, $0xb8;
	[tilespmem:$0x19900] =	vst v63  }
0x14c: {  	v3 =	vld [tilespmem:$0xE0];
	_ =	sdelay $0x4  }
0x14d: {  	v62 =	vperm.xlane v3, v0;
	_ =	sdelay $0x1  }
0x14e: {  	v3 =	vperm.xlane v3, v2;
	v4 =	vadd.s32 v1, v62;
	_ =	sdelay $0x1  }
0x14f: {  	v3 =	vadd.s32 v1, v3;
	_ =	sdelay $0x2  }
0x150: {  	[tilespmem:s20], [sflag:$0x5] =	stream.indirect_vreg.gather [hbm4b:s4+s3], $0x80, v4, vm1, $0xb8;
	[tilespmem:$0x19900] =	vst v63  }
0x151: {  	_ = 	snop  }
0x152: {  	[tilespmem:s21], [sflag:$0x5] =	stream.indirect_vreg.gather [hbm4b:s4+s3], $0x80, v3, vm1, $0xb8;
	[tilespmem:$0x19900] =	vst v63  }
0x153: {  	v3 =	vld [tilespmem:$0xF0];
	_ =	sdelay $0x4  }
0x154: {  	v63 =	vperm.xlane v3, v0;
	_ =	sdelay $0x1  }
0x155: {  	v3 =	vperm.xlane v3, v2;
	v4 =	vadd.s32 v1, v63;
	_ =	sdelay $0x1  }
0x156: {  	v3 =	vadd.s32 v1, v3;
	_ =	sdelay $0x2  }
0x157: {  	[tilespmem:s22], [sflag:$0x5] =	stream.indirect_vreg.gather [hbm4b:s4+s3], $0x80, v4, vm1, $0xb8;
	[tilespmem:$0x19900] =	vst v63  }
0x158: {  	s31 =	simm.s32 $0x1F0;
	s0 =	simm.s32 $0x0  }
0x159: {  	[tilespmem:s23], [sflag:$0x5] =	stream.indirect_vreg.gather [hbm4b:s4+s3], $0x80, v3, vm1, $0xb8;
	[tilespmem:$0x19900] =	vst v63  }
.LBB2_2:
0x15a: {  	_ =	swait.ge [sflag:s24], $0x8000  }
0x15b: {  	[sflag:s24] =	ssyncset.done $0x0  }
0x15c: {  	[sflag:s24] =	ssyncadd.s32 $0xFFFF8000  }
0x15d: {  	_ =	swait.ge [sflag:s25], $0x4000  }
0x15e: {  	[sflag:s25] =	ssyncset.done $0x0  }
0x15f: {  	s2 =	sadd.s32 s0, s7;
	[sflag:s25] =	ssyncadd.s32 $0xFFFFC000  }
0x160: {  	[hbm4b:s2+s3] =	stream.linear.scatter [tilespmem:s11], [sflag:$0x3], $0xC000, $0x38;
	[tilespmem:$0x19900] =	vst v63  }
0x161: {  	_ =	swait.ge [sflag:s26], $0x8000  }
0x162: {  	[sflag:s26] =	ssyncset.done $0x0  }
0x163: {  	[sflag:s26] =	ssyncadd.s32 $0xFFFF8000  }
0x164: {  	_ =	swait.ge [sflag:s28], $0x4000  }
0x165: {  	p0 =	seq.s32 s0, $0x48000;
	[sflag:s28] =	ssyncset.done $0x0  }
.Ltmp2:
0x166: {  	s2 =	sadd.s32 $0x1800, s2;
	[sflag:s28] =	ssyncadd.s32 $0xFFFFC000;
	(pc) =	sbr.rel @p0 .LBB2_4-.Ltmp2, $4  }
0x167: {  	[hbm4b:s2+s3] =	stream.linear.scatter [tilespmem:s17], [sflag:$0x6], $0xC000, $0x38;
	[tilespmem:$0x19900] =	vst v63  }
0x168: {  	_ =	swait.ge [sflag:s29], $0xC000  }
0x169: {  	[sflag:s29] =	ssyncset.done $0x0  }
0x16a: {  	[sflag:s29] =	ssyncadd.s32 $0xFFFF4000  }
0x16b: {  	v3 =	vld [tilespmem:s31+$0xFFFFFF10];
	_ =	sdelay $0x4  }
0x16c: {  	v4 =	vshrl.u32 v3, $0x3  }
0x16d: {  	v4 =	vmul.u32 $0x18, v4  }
0x16e: {  	v3 =	vand.u32 $0x7, v3  }
0x16f: {  	v3 =	vor.u32 v3, v4  }
0x170: {  	v4 =	vperm.xlane v3, v0;
	_ =	sdelay $0x1  }
0x171: {  	v3 =	vperm.xlane v3, v2;
	v4 =	vadd.s32 v1, v4;
	_ =	sdelay $0x1  }
0x172: {  	v3 =	vadd.s32 v1, v3;
	_ =	sdelay $0x2  }
0x173: {  	[tilespmem:s11], [sflag:$0x1] =	stream.indirect_vreg.gather [hbm4b:s1+s3], $0x80, v4, vm0, $0xb8;
	[tilespmem:$0x19900] =	vst v63  }
0x174: {  	s2 =	simm.s32 $0x2500  }
0x175: {  	[tilespmem:s2], [sflag:$0x1] =	stream.indirect_vreg.gather [hbm4b:s1+s3], $0x80, v3, vm0, $0xb8;
	[tilespmem:$0x19900] =	vst v63  }
0x176: {  	v3 =	vld [tilespmem:s31+$0xFFFFFF20];
	_ =	sdelay $0x4  }
0x177: {  	v33 =	vshrl.u32 v3, $0x3  }
0x178: {  	v4 =	vmul.u32 $0x18, v33  }
0x179: {  	v3 =	vand.u32 $0x7, v3  }
0x17a: {  	v3 =	vor.u32 v3, v4  }
0x17b: {  	v4 =	vperm.xlane v3, v0;
	_ =	sdelay $0x1  }
0x17c: {  	v3 =	vperm.xlane v3, v2;
	v4 =	vadd.s32 v1, v4;
	_ =	sdelay $0x1  }
0x17d: {  	v3 =	vadd.s32 v1, v3;
	_ =	sdelay $0x1  }
0x17e: {  	s2 =	simm.s32 $0x3100  }
0x17f: {  	[tilespmem:s2], [sflag:$0x1] =	stream.indirect_vreg.gather [hbm4b:s1+s3], $0x80, v4, vm0, $0xb8;
	[tilespmem:$0x19900] =	vst v63  }
0x180: {  	s2 =	simm.s32 $0x3D00  }
0x181: {  	[tilespmem:s2], [sflag:$0x1] =	stream.indirect_vreg.gather [hbm4b:s1+s3], $0x80, v3, vm0, $0xb8;
	[tilespmem:$0x19900] =	vst v63  }
0x182: {  	v3 =	vld [tilespmem:s31+$0xFFFFFF30];
	_ =	sdelay $0x4  }
0x183: {  	v34 =	vshrl.u32 v3, $0x3  }
0x184: {  	v4 =	vmul.u32 $0x18, v34  }
0x185: {  	v3 =	vand.u32 $0x7, v3  }
0x186: {  	v3 =	vor.u32 v3, v4  }
0x187: {  	v4 =	vperm.xlane v3, v0;
	_ =	sdelay $0x1  }
0x188: {  	v3 =	vperm.xlane v3, v2;
	v4 =	vadd.s32 v1, v4;
	_ =	sdelay $0x1  }
0x189: {  	v3 =	vadd.s32 v1, v3;
	_ =	sdelay $0x1  }
0x18a: {  	s2 =	simm.s32 $0x4900  }
0x18b: {  	[tilespmem:s2], [sflag:$0x1] =	stream.indirect_vreg.gather [hbm4b:s1+s3], $0x80, v4, vm0, $0xb8;
	[tilespmem:$0x19900] =	vst v63  }
0x18c: {  	s2 =	simm.s32 $0x5500  }
0x18d: {  	[tilespmem:s2], [sflag:$0x1] =	stream.indirect_vreg.gather [hbm4b:s1+s3], $0x80, v3, vm0, $0xb8;
	[tilespmem:$0x19900] =	vst v63  }
0x18e: {  	v3 =	vld [tilespmem:s31+$0xFFFFFF40];
	_ =	sdelay $0x4  }
0x18f: {  	v35 =	vshrl.u32 v3, $0x3  }
0x190: {  	v4 =	vmul.u32 $0x18, v35  }
0x191: {  	v3 =	vand.u32 $0x7, v3  }
0x192: {  	v3 =	vor.u32 v3, v4  }
0x193: {  	v4 =	vperm.xlane v3, v0;
	_ =	sdelay $0x1  }
0x194: {  	v3 =	vperm.xlane v3, v2;
	v4 =	vadd.s32 v1, v4;
	_ =	sdelay $0x1  }
0x195: {  	v3 =	vadd.s32 v1, v3;
	_ =	sdelay $0x1  }
0x196: {  	s2 =	simm.s32 $0x6100  }
0x197: {  	[tilespmem:s2], [sflag:$0x1] =	stream.indirect_vreg.gather [hbm4b:s1+s3], $0x80, v4, vm0, $0xb8;
	[tilespmem:$0x19900] =	vst v63  }
0x198: {  	s2 =	simm.s32 $0x6D00  }
0x199: {  	[tilespmem:s2], [sflag:$0x1] =	stream.indirect_vreg.gather [hbm4b:s1+s3], $0x80, v3, vm0, $0xb8;
	[tilespmem:$0x19900] =	vst v63  }
0x19a: {  	v3 =	vld [tilespmem:s31+$0xFFFFFF50];
	_ =	sdelay $0x4  }
0x19b: {  	v36 =	vshrl.u32 v3, $0x3  }
0x19c: {  	v4 =	vmul.u32 $0x18, v36  }
0x19d: {  	v3 =	vand.u32 $0x7, v3  }
0x19e: {  	v3 =	vor.u32 v3, v4  }
0x19f: {  	v4 =	vperm.xlane v3, v0;
	_ =	sdelay $0x1  }
0x1a0: {  	v3 =	vperm.xlane v3, v2;
	v4 =	vadd.s32 v1, v4;
	_ =	sdelay $0x1  }
0x1a1: {  	v3 =	vadd.s32 v1, v3;
	_ =	sdelay $0x1  }
0x1a2: {  	s2 =	simm.s32 $0x7900  }
0x1a3: {  	[tilespmem:s2], [sflag:$0x1] =	stream.indirect_vreg.gather [hbm4b:s1+s3], $0x80, v4, vm0, $0xb8;
	[tilespmem:$0x19900] =	vst v63  }
0x1a4: {  	s2 =	simm.s32 $0x8500  }
0x1a5: {  	[tilespmem:s2], [sflag:$0x1] =	stream.indirect_vreg.gather [hbm4b:s1+s3], $0x80, v3, vm0, $0xb8;
	[tilespmem:$0x19900] =	vst v63  }
0x1a6: {  	v3 =	vld [tilespmem:s31+$0xFFFFFF60];
	_ =	sdelay $0x4  }
0x1a7: {  	v37 =	vshrl.u32 v3, $0x3  }
0x1a8: {  	v4 =	vmul.u32 $0x18, v37  }
0x1a9: {  	v3 =	vand.u32 $0x7, v3  }
0x1aa: {  	v3 =	vor.u32 v3, v4  }
0x1ab: {  	v4 =	vperm.xlane v3, v0;
	_ =	sdelay $0x1  }
0x1ac: {  	v3 =	vperm.xlane v3, v2;
	v4 =	vadd.s32 v1, v4;
	_ =	sdelay $0x1  }
0x1ad: {  	v3 =	vadd.s32 v1, v3;
	_ =	sdelay $0x1  }
0x1ae: {  	s2 =	simm.s32 $0x9100  }
0x1af: {  	[tilespmem:s2], [sflag:$0x1] =	stream.indirect_vreg.gather [hbm4b:s1+s3], $0x80, v4, vm0, $0xb8;
	[tilespmem:$0x19900] =	vst v63  }
0x1b0: {  	s2 =	simm.s32 $0x9D00  }
0x1b1: {  	[tilespmem:s2], [sflag:$0x1] =	stream.indirect_vreg.gather [hbm4b:s1+s3], $0x80, v3, vm0, $0xb8;
	[tilespmem:$0x19900] =	vst v63  }
0x1b2: {  	v3 =	vld [tilespmem:s31+$0xFFFFFF70];
	_ =	sdelay $0x4  }
0x1b3: {  	v38 =	vshrl.u32 v3, $0x3  }
0x1b4: {  	v4 =	vmul.u32 $0x18, v38  }
0x1b5: {  	v3 =	vand.u32 $0x7, v3  }
0x1b6: {  	v3 =	vor.u32 v3, v4  }
0x1b7: {  	v4 =	vperm.xlane v3, v0;
	_ =	sdelay $0x1  }
0x1b8: {  	v3 =	vperm.xlane v3, v2;
	v4 =	vadd.s32 v1, v4;
	_ =	sdelay $0x1  }
0x1b9: {  	v3 =	vadd.s32 v1, v3;
	_ =	sdelay $0x1  }
0x1ba: {  	s2 =	simm.s32 $0xA900  }
0x1bb: {  	[tilespmem:s2], [sflag:$0x1] =	stream.indirect_vreg.gather [hbm4b:s1+s3], $0x80, v4, vm0, $0xb8;
	[tilespmem:$0x19900] =	vst v63  }
0x1bc: {  	s2 =	simm.s32 $0xB500  }
0x1bd: {  	[tilespmem:s2], [sflag:$0x1] =	stream.indirect_vreg.gather [hbm4b:s1+s3], $0x80, v3, vm0, $0xb8;
	[tilespmem:$0x19900] =	vst v63  }
0x1be: {  	v3 =	vld [tilespmem:s31+$0xFFFFFF80];
	_ =	sdelay $0x4  }
0x1bf: {  	v39 =	vshrl.u32 v3, $0x3  }
0x1c0: {  	v4 =	vmul.u32 $0x18, v39  }
0x1c1: {  	v3 =	vand.u32 $0x7, v3  }
0x1c2: {  	v3 =	vor.u32 v3, v4  }
0x1c3: {  	v4 =	vperm.xlane v3, v0;
	_ =	sdelay $0x1  }
0x1c4: {  	v3 =	vperm.xlane v3, v2;
	v4 =	vadd.s32 v1, v4;
	_ =	sdelay $0x1  }
0x1c5: {  	v3 =	vadd.s32 v1, v3;
	_ =	sdelay $0x1  }
0x1c6: {  	s2 =	simm.s32 $0xC100  }
0x1c7: {  	[tilespmem:s2], [sflag:$0x1] =	stream.indirect_vreg.gather [hbm4b:s1+s3], $0x80, v4, vm0, $0xb8;
	[tilespmem:$0x19900] =	vst v63  }
0x1c8: {  	s2 =	simm.s32 $0xCD00  }
0x1c9: {  	[tilespmem:s2], [sflag:$0x1] =	stream.indirect_vreg.gather [hbm4b:s1+s3], $0x80, v3, vm0, $0xb8;
	[tilespmem:$0x19900] =	vst v63  }
0x1ca: {  	v3 =	vld [tilespmem:s31+$0xFFFFFF10];
	_ =	sdelay $0x4  }
0x1cb: {  	v40 =	vperm.xlane v3, v0;
	_ =	sdelay $0x1  }
0x1cc: {  	v3 =	vperm.xlane v3, v2;
	v4 =	vadd.s32 v1, v40;
	_ =	sdelay $0x1  }
0x1cd: {  	v3 =	vadd.s32 v1, v3;
	_ =	sdelay $0x1  }
0x1ce: {  	s2 =	simm.s32 $0x2100  }
0x1cf: {  	[tilespmem:s2], [sflag:$0x2] =	stream.indirect_vreg.gather [hbm4b:s4+s3], $0x80, v4, vm1, $0xb8;
	[tilespmem:$0x19900] =	vst v63  }
0x1d0: {  	s2 =	simm.s32 $0x2D00  }
0x1d1: {  	[tilespmem:s2], [sflag:$0x2] =	stream.indirect_vreg.gather [hbm4b:s4+s3], $0x80, v3, vm1, $0xb8;
	[tilespmem:$0x19900] =	vst v63  }
0x1d2: {  	v3 =	vld [tilespmem:s31+$0xFFFFFF20];
	_ =	sdelay $0x4  }
0x1d3: {  	v41 =	vperm.xlane v3, v0;
	_ =	sdelay $0x1  }
0x1d4: {  	v3 =	vperm.xlane v3, v2;
	v4 =	vadd.s32 v1, v41;
	_ =	sdelay $0x1  }
0x1d5: {  	v3 =	vadd.s32 v1, v3;
	_ =	sdelay $0x1  }
0x1d6: {  	s2 =	simm.s32 $0x3900  }
0x1d7: {  	[tilespmem:s2], [sflag:$0x2] =	stream.indirect_vreg.gather [hbm4b:s4+s3], $0x80, v4, vm1, $0xb8;
	[tilespmem:$0x19900] =	vst v63  }
0x1d8: {  	s2 =	simm.s32 $0x4500  }
0x1d9: {  	[tilespmem:s2], [sflag:$0x2] =	stream.indirect_vreg.gather [hbm4b:s4+s3], $0x80, v3, vm1, $0xb8;
	[tilespmem:$0x19900] =	vst v63  }
0x1da: {  	v3 =	vld [tilespmem:s31+$0xFFFFFF30];
	_ =	sdelay $0x4  }
0x1db: {  	v42 =	vperm.xlane v3, v0;
	_ =	sdelay $0x1  }
0x1dc: {  	v3 =	vperm.xlane v3, v2;
	v4 =	vadd.s32 v1, v42;
	_ =	sdelay $0x1  }
0x1dd: {  	v3 =	vadd.s32 v1, v3;
	_ =	sdelay $0x1  }
0x1de: {  	s2 =	simm.s32 $0x5100  }
0x1df: {  	[tilespmem:s2], [sflag:$0x2] =	stream.indirect_vreg.gather [hbm4b:s4+s3], $0x80, v4, vm1, $0xb8;
	[tilespmem:$0x19900] =	vst v63  }
0x1e0: {  	s2 =	simm.s32 $0x5D00  }
0x1e1: {  	[tilespmem:s2], [sflag:$0x2] =	stream.indirect_vreg.gather [hbm4b:s4+s3], $0x80, v3, vm1, $0xb8;
	[tilespmem:$0x19900] =	vst v63  }
0x1e2: {  	v3 =	vld [tilespmem:s31+$0xFFFFFF40];
	_ =	sdelay $0x4  }
0x1e3: {  	v43 =	vperm.xlane v3, v0;
	_ =	sdelay $0x1  }
0x1e4: {  	v3 =	vperm.xlane v3, v2;
	v4 =	vadd.s32 v1, v43;
	_ =	sdelay $0x1  }
0x1e5: {  	v3 =	vadd.s32 v1, v3;
	_ =	sdelay $0x1  }
0x1e6: {  	s2 =	simm.s32 $0x6900  }
0x1e7: {  	[tilespmem:s2], [sflag:$0x2] =	stream.indirect_vreg.gather [hbm4b:s4+s3], $0x80, v4, vm1, $0xb8;
	[tilespmem:$0x19900] =	vst v63  }
0x1e8: {  	s2 =	simm.s32 $0x7500  }
0x1e9: {  	[tilespmem:s2], [sflag:$0x2] =	stream.indirect_vreg.gather [hbm4b:s4+s3], $0x80, v3, vm1, $0xb8;
	[tilespmem:$0x19900] =	vst v63  }
0x1ea: {  	v3 =	vld [tilespmem:s31+$0xFFFFFF50];
	_ =	sdelay $0x4  }
0x1eb: {  	v44 =	vperm.xlane v3, v0;
	_ =	sdelay $0x1  }
0x1ec: {  	v3 =	vperm.xlane v3, v2;
	v4 =	vadd.s32 v1, v44;
	_ =	sdelay $0x1  }
0x1ed: {  	v3 =	vadd.s32 v1, v3;
	_ =	sdelay $0x1  }
0x1ee: {  	s2 =	simm.s32 $0x8100  }
0x1ef: {  	[tilespmem:s2], [sflag:$0x2] =	stream.indirect_vreg.gather [hbm4b:s4+s3], $0x80, v4, vm1, $0xb8;
	[tilespmem:$0x19900] =	vst v63  }
0x1f0: {  	s2 =	simm.s32 $0x8D00  }
0x1f1: {  	[tilespmem:s2], [sflag:$0x2] =	stream.indirect_vreg.gather [hbm4b:s4+s3], $0x80, v3, vm1, $0xb8;
	[tilespmem:$0x19900] =	vst v63  }
0x1f2: {  	v3 =	vld [tilespmem:s31+$0xFFFFFF60];
	_ =	sdelay $0x4  }
0x1f3: {  	v45 =	vperm.xlane v3, v0;
	_ =	sdelay $0x1  }
0x1f4: {  	v3 =	vperm.xlane v3, v2;
	v4 =	vadd.s32 v1, v45;
	_ =	sdelay $0x1  }
0x1f5: {  	v3 =	vadd.s32 v1, v3;
	_ =	sdelay $0x1  }
0x1f6: {  	s2 =	simm.s32 $0x9900  }
0x1f7: {  	[tilespmem:s2], [sflag:$0x2] =	stream.indirect_vreg.gather [hbm4b:s4+s3], $0x80, v4, vm1, $0xb8;
	[tilespmem:$0x19900] =	vst v63  }
0x1f8: {  	s2 =	simm.s32 $0xA500  }
0x1f9: {  	[tilespmem:s2], [sflag:$0x2] =	stream.indirect_vreg.gather [hbm4b:s4+s3], $0x80, v3, vm1, $0xb8;
	[tilespmem:$0x19900] =	vst v63  }
0x1fa: {  	v3 =	vld [tilespmem:s31+$0xFFFFFF70];
	_ =	sdelay $0x4  }
0x1fb: {  	v46 =	vperm.xlane v3, v0;
	_ =	sdelay $0x1  }
0x1fc: {  	v3 =	vperm.xlane v3, v2;
	v4 =	vadd.s32 v1, v46;
	_ =	sdelay $0x1  }
0x1fd: {  	v3 =	vadd.s32 v1, v3;
	_ =	sdelay $0x1  }
0x1fe: {  	s2 =	simm.s32 $0xB100  }
0x1ff: {  	[tilespmem:s2], [sflag:$0x2] =	stream.indirect_vreg.gather [hbm4b:s4+s3], $0x80, v4, vm1, $0xb8;
	[tilespmem:$0x19900] =	vst v63  }
0x200: {  	s2 =	simm.s32 $0xBD00  }
0x201: {  	[tilespmem:s2], [sflag:$0x2] =	stream.indirect_vreg.gather [hbm4b:s4+s3], $0x80, v3, vm1, $0xb8;
	[tilespmem:$0x19900] =	vst v63  }
0x202: {  	v3 =	vld [tilespmem:s31+$0xFFFFFF80];
	_ =	sdelay $0x4  }
0x203: {  	v47 =	vperm.xlane v3, v0;
	_ =	sdelay $0x1  }
0x204: {  	v3 =	vperm.xlane v3, v2;
	v4 =	vadd.s32 v1, v47;
	_ =	sdelay $0x1  }
0x205: {  	v3 =	vadd.s32 v1, v3;
	_ =	sdelay $0x1  }
0x206: {  	s2 =	simm.s32 $0xC900  }
0x207: {  	[tilespmem:s2], [sflag:$0x2] =	stream.indirect_vreg.gather [hbm4b:s4+s3], $0x80, v4, vm1, $0xb8;
	[tilespmem:$0x19900] =	vst v63  }
0x208: {  	s2 =	simm.s32 $0xD500  }
0x209: {  	[tilespmem:s2], [sflag:$0x2] =	stream.indirect_vreg.gather [hbm4b:s4+s3], $0x80, v3, vm1, $0xb8;
	[tilespmem:$0x19900] =	vst v63  }
0x20a: {  	_ =	swait.ge [sflag:s30], $0xC000  }
0x20b: {  	[sflag:s30] =	ssyncset.done $0x0  }
0x20c: {  	[sflag:s30] =	ssyncadd.s32 $0xFFFF4000  }
0x20d: {  	v3 =	vld [tilespmem:s31+$0xFFFFFF90];
	_ =	sdelay $0x4  }
0x20e: {  	v48 =	vshrl.u32 v3, $0x3  }
0x20f: {  	v4 =	vmul.u32 $0x18, v48  }
0x210: {  	v3 =	vand.u32 $0x7, v3  }
0x211: {  	v3 =	vor.u32 v3, v4  }
0x212: {  	v4 =	vperm.xlane v3, v0;
	_ =	sdelay $0x1  }
0x213: {  	v3 =	vperm.xlane v3, v2;
	v4 =	vadd.s32 v1, v4;
	_ =	sdelay $0x1  }
0x214: {  	v3 =	vadd.s32 v1, v3;
	_ =	sdelay $0x2  }
0x215: {  	[tilespmem:s17], [sflag:$0x4] =	stream.indirect_vreg.gather [hbm4b:s1+s3], $0x80, v4, vm0, $0xb8;
	[tilespmem:$0x19900] =	vst v63  }
0x216: {  	s2 =	simm.s32 $0xE500  }
0x217: {  	[tilespmem:s2], [sflag:$0x4] =	stream.indirect_vreg.gather [hbm4b:s1+s3], $0x80, v3, vm0, $0xb8;
	[tilespmem:$0x19900] =	vst v63  }
0x218: {  	v3 =	vld [tilespmem:s31+$0xFFFFFFA0];
	_ =	sdelay $0x4  }
0x219: {  	v49 =	vshrl.u32 v3, $0x3  }
0x21a: {  	v4 =	vmul.u32 $0x18, v49  }
0x21b: {  	v3 =	vand.u32 $0x7, v3  }
0x21c: {  	v3 =	vor.u32 v3, v4  }
0x21d: {  	v4 =	vperm.xlane v3, v0;
	_ =	sdelay $0x1  }
0x21e: {  	v3 =	vperm.xlane v3, v2;
	v4 =	vadd.s32 v1, v4;
	_ =	sdelay $0x1  }
0x21f: {  	v3 =	vadd.s32 v1, v3;
	_ =	sdelay $0x1  }
0x220: {  	s2 =	simm.s32 $0xF100  }
0x221: {  	[tilespmem:s2], [sflag:$0x4] =	stream.indirect_vreg.gather [hbm4b:s1+s3], $0x80, v4, vm0, $0xb8;
	[tilespmem:$0x19900] =	vst v63  }
0x222: {  	s2 =	simm.s32 $0xFD00  }
0x223: {  	[tilespmem:s2], [sflag:$0x4] =	stream.indirect_vreg.gather [hbm4b:s1+s3], $0x80, v3, vm0, $0xb8;
	[tilespmem:$0x19900] =	vst v63  }
0x224: {  	v3 =	vld [tilespmem:s31+$0xFFFFFFB0];
	_ =	sdelay $0x4  }
0x225: {  	v50 =	vshrl.u32 v3, $0x3  }
0x226: {  	v4 =	vmul.u32 $0x18, v50  }
0x227: {  	v3 =	vand.u32 $0x7, v3  }
0x228: {  	v3 =	vor.u32 v3, v4  }
0x229: {  	v4 =	vperm.xlane v3, v0;
	_ =	sdelay $0x1  }
0x22a: {  	v3 =	vperm.xlane v3, v2;
	v4 =	vadd.s32 v1, v4;
	_ =	sdelay $0x1  }
0x22b: {  	v3 =	vadd.s32 v1, v3;
	_ =	sdelay $0x1  }
0x22c: {  	s2 =	simm.s32 $0x10900  }
0x22d: {  	[tilespmem:s2], [sflag:$0x4] =	stream.indirect_vreg.gather [hbm4b:s1+s3], $0x80, v4, vm0, $0xb8;
	[tilespmem:$0x19900] =	vst v63  }
0x22e: {  	s2 =	simm.s32 $0x11500  }
0x22f: {  	[tilespmem:s2], [sflag:$0x4] =	stream.indirect_vreg.gather [hbm4b:s1+s3], $0x80, v3, vm0, $0xb8;
	[tilespmem:$0x19900] =	vst v63  }
0x230: {  	v3 =	vld [tilespmem:s31+$0xFFFFFFC0];
	_ =	sdelay $0x4  }
0x231: {  	v51 =	vshrl.u32 v3, $0x3  }
0x232: {  	v4 =	vmul.u32 $0x18, v51  }
0x233: {  	v3 =	vand.u32 $0x7, v3  }
0x234: {  	v3 =	vor.u32 v3, v4  }
0x235: {  	v4 =	vperm.xlane v3, v0;
	_ =	sdelay $0x1  }
0x236: {  	v3 =	vperm.xlane v3, v2;
	v4 =	vadd.s32 v1, v4;
	_ =	sdelay $0x1  }
0x237: {  	v3 =	vadd.s32 v1, v3;
	_ =	sdelay $0x1  }
0x238: {  	s2 =	simm.s32 $0x12100  }
0x239: {  	[tilespmem:s2], [sflag:$0x4] =	stream.indirect_vreg.gather [hbm4b:s1+s3], $0x80, v4, vm0, $0xb8;
	[tilespmem:$0x19900] =	vst v63  }
0x23a: {  	s2 =	simm.s32 $0x12D00  }
0x23b: {  	[tilespmem:s2], [sflag:$0x4] =	stream.indirect_vreg.gather [hbm4b:s1+s3], $0x80, v3, vm0, $0xb8;
	[tilespmem:$0x19900] =	vst v63  }
0x23c: {  	v3 =	vld [tilespmem:s31+$0xFFFFFFD0];
	_ =	sdelay $0x4  }
0x23d: {  	v52 =	vshrl.u32 v3, $0x3  }
0x23e: {  	v4 =	vmul.u32 $0x18, v52  }
0x23f: {  	v3 =	vand.u32 $0x7, v3  }
0x240: {  	v3 =	vor.u32 v3, v4  }
0x241: {  	v4 =	vperm.xlane v3, v0;
	_ =	sdelay $0x1  }
0x242: {  	v3 =	vperm.xlane v3, v2;
	v4 =	vadd.s32 v1, v4;
	_ =	sdelay $0x1  }
0x243: {  	v3 =	vadd.s32 v1, v3;
	_ =	sdelay $0x1  }
0x244: {  	s2 =	simm.s32 $0x13900  }
0x245: {  	[tilespmem:s2], [sflag:$0x4] =	stream.indirect_vreg.gather [hbm4b:s1+s3], $0x80, v4, vm0, $0xb8;
	[tilespmem:$0x19900] =	vst v63  }
0x246: {  	s2 =	simm.s32 $0x14500  }
0x247: {  	[tilespmem:s2], [sflag:$0x4] =	stream.indirect_vreg.gather [hbm4b:s1+s3], $0x80, v3, vm0, $0xb8;
	[tilespmem:$0x19900] =	vst v63  }
0x248: {  	v3 =	vld [tilespmem:s31+$0xFFFFFFE0];
	_ =	sdelay $0x4  }
0x249: {  	v53 =	vshrl.u32 v3, $0x3  }
0x24a: {  	v4 =	vmul.u32 $0x18, v53  }
0x24b: {  	v3 =	vand.u32 $0x7, v3  }
0x24c: {  	v3 =	vor.u32 v3, v4  }
0x24d: {  	v4 =	vperm.xlane v3, v0;
	_ =	sdelay $0x1  }
0x24e: {  	v3 =	vperm.xlane v3, v2;
	v4 =	vadd.s32 v1, v4;
	_ =	sdelay $0x1  }
0x24f: {  	v3 =	vadd.s32 v1, v3;
	_ =	sdelay $0x1  }
0x250: {  	s2 =	simm.s32 $0x15100  }
0x251: {  	[tilespmem:s2], [sflag:$0x4] =	stream.indirect_vreg.gather [hbm4b:s1+s3], $0x80, v4, vm0, $0xb8;
	[tilespmem:$0x19900] =	vst v63  }
0x252: {  	s2 =	simm.s32 $0x15D00  }
0x253: {  	[tilespmem:s2], [sflag:$0x4] =	stream.indirect_vreg.gather [hbm4b:s1+s3], $0x80, v3, vm0, $0xb8;
	[tilespmem:$0x19900] =	vst v63  }
0x254: {  	v3 =	vld [tilespmem:s31+$0xFFFFFFF0];
	_ =	sdelay $0x4  }
0x255: {  	v54 =	vshrl.u32 v3, $0x3  }
0x256: {  	v4 =	vmul.u32 $0x18, v54  }
0x257: {  	v3 =	vand.u32 $0x7, v3  }
0x258: {  	v3 =	vor.u32 v3, v4  }
0x259: {  	v4 =	vperm.xlane v3, v0;
	_ =	sdelay $0x1  }
0x25a: {  	v3 =	vperm.xlane v3, v2;
	v4 =	vadd.s32 v1, v4;
	_ =	sdelay $0x1  }
0x25b: {  	v3 =	vadd.s32 v1, v3;
	_ =	sdelay $0x1  }
0x25c: {  	s2 =	simm.s32 $0x16900  }
0x25d: {  	[tilespmem:s2], [sflag:$0x4] =	stream.indirect_vreg.gather [hbm4b:s1+s3], $0x80, v4, vm0, $0xb8;
	[tilespmem:$0x19900] =	vst v63  }
0x25e: {  	s2 =	simm.s32 $0x17500  }
0x25f: {  	[tilespmem:s2], [sflag:$0x4] =	stream.indirect_vreg.gather [hbm4b:s1+s3], $0x80, v3, vm0, $0xb8;
	[tilespmem:$0x19900] =	vst v63  }
0x260: {  	v3 =	vld [tilespmem:s31+$0x0];
	_ =	sdelay $0x4  }
0x261: {  	v55 =	vshrl.u32 v3, $0x3  }
0x262: {  	v4 =	vmul.u32 $0x18, v55  }
0x263: {  	v3 =	vand.u32 $0x7, v3  }
0x264: {  	v3 =	vor.u32 v3, v4  }
0x265: {  	v4 =	vperm.xlane v3, v0;
	_ =	sdelay $0x1  }
0x266: {  	v3 =	vperm.xlane v3, v2;
	v4 =	vadd.s32 v1, v4;
	_ =	sdelay $0x1  }
0x267: {  	v3 =	vadd.s32 v1, v3;
	_ =	sdelay $0x1  }
0x268: {  	s2 =	simm.s32 $0x18100  }
0x269: {  	[tilespmem:s2], [sflag:$0x4] =	stream.indirect_vreg.gather [hbm4b:s1+s3], $0x80, v4, vm0, $0xb8;
	[tilespmem:$0x19900] =	vst v63  }
0x26a: {  	s2 =	simm.s32 $0x18D00  }
0x26b: {  	[tilespmem:s2], [sflag:$0x4] =	stream.indirect_vreg.gather [hbm4b:s1+s3], $0x80, v3, vm0, $0xb8;
	[tilespmem:$0x19900] =	vst v63  }
0x26c: {  	v3 =	vld [tilespmem:s31+$0xFFFFFF90];
	_ =	sdelay $0x4  }
0x26d: {  	v56 =	vperm.xlane v3, v0;
	_ =	sdelay $0x1  }
0x26e: {  	v3 =	vperm.xlane v3, v2;
	v4 =	vadd.s32 v1, v56;
	_ =	sdelay $0x1  }
0x26f: {  	v3 =	vadd.s32 v1, v3;
	_ =	sdelay $0x2  }
0x270: {  	[tilespmem:s8], [sflag:$0x5] =	stream.indirect_vreg.gather [hbm4b:s4+s3], $0x80, v4, vm1, $0xb8;
	[tilespmem:$0x19900] =	vst v63  }
0x271: {  	_ = 	snop  }
0x272: {  	[tilespmem:s9], [sflag:$0x5] =	stream.indirect_vreg.gather [hbm4b:s4+s3], $0x80, v3, vm1, $0xb8;
	[tilespmem:$0x19900] =	vst v63  }
0x273: {  	v3 =	vld [tilespmem:s31+$0xFFFFFFA0];
	_ =	sdelay $0x4  }
0x274: {  	v57 =	vperm.xlane v3, v0;
	_ =	sdelay $0x1  }
0x275: {  	v3 =	vperm.xlane v3, v2;
	v4 =	vadd.s32 v1, v57;
	_ =	sdelay $0x1  }
0x276: {  	v3 =	vadd.s32 v1, v3;
	_ =	sdelay $0x2  }
0x277: {  	[tilespmem:s5], [sflag:$0x5] =	stream.indirect_vreg.gather [hbm4b:s4+s3], $0x80, v4, vm1, $0xb8;
	[tilespmem:$0x19900] =	vst v63  }
0x278: {  	_ = 	snop  }
0x279: {  	[tilespmem:s6], [sflag:$0x5] =	stream.indirect_vreg.gather [hbm4b:s4+s3], $0x80, v3, vm1, $0xb8;
	[tilespmem:$0x19900] =	vst v63  }
0x27a: {  	v3 =	vld [tilespmem:s31+$0xFFFFFFB0];
	_ =	sdelay $0x4  }
0x27b: {  	v58 =	vperm.xlane v3, v0;
	_ =	sdelay $0x1  }
0x27c: {  	v3 =	vperm.xlane v3, v2;
	v4 =	vadd.s32 v1, v58;
	_ =	sdelay $0x1  }
0x27d: {  	v3 =	vadd.s32 v1, v3;
	_ =	sdelay $0x2  }
0x27e: {  	[tilespmem:s10], [sflag:$0x5] =	stream.indirect_vreg.gather [hbm4b:s4+s3], $0x80, v4, vm1, $0xb8;
	[tilespmem:$0x19900] =	vst v63  }
0x27f: {  	_ = 	snop  }
0x280: {  	[tilespmem:s12], [sflag:$0x5] =	stream.indirect_vreg.gather [hbm4b:s4+s3], $0x80, v3, vm1, $0xb8;
	[tilespmem:$0x19900] =	vst v63  }
0x281: {  	v3 =	vld [tilespmem:s31+$0xFFFFFFC0];
	_ =	sdelay $0x4  }
0x282: {  	v59 =	vperm.xlane v3, v0;
	_ =	sdelay $0x1  }
0x283: {  	v3 =	vperm.xlane v3, v2;
	v4 =	vadd.s32 v1, v59;
	_ =	sdelay $0x1  }
0x284: {  	v3 =	vadd.s32 v1, v3;
	_ =	sdelay $0x2  }
0x285: {  	[tilespmem:s13], [sflag:$0x5] =	stream.indirect_vreg.gather [hbm4b:s4+s3], $0x80, v4, vm1, $0xb8;
	[tilespmem:$0x19900] =	vst v63  }
0x286: {  	_ = 	snop  }
0x287: {  	[tilespmem:s14], [sflag:$0x5] =	stream.indirect_vreg.gather [hbm4b:s4+s3], $0x80, v3, vm1, $0xb8;
	[tilespmem:$0x19900] =	vst v63  }
0x288: {  	v3 =	vld [tilespmem:s31+$0xFFFFFFD0];
	_ =	sdelay $0x4  }
0x289: {  	v60 =	vperm.xlane v3, v0;
	_ =	sdelay $0x1  }
0x28a: {  	v3 =	vperm.xlane v3, v2;
	v4 =	vadd.s32 v1, v60;
	_ =	sdelay $0x1  }
0x28b: {  	v3 =	vadd.s32 v1, v3;
	_ =	sdelay $0x2  }
0x28c: {  	[tilespmem:s15], [sflag:$0x5] =	stream.indirect_vreg.gather [hbm4b:s4+s3], $0x80, v4, vm1, $0xb8;
	[tilespmem:$0x19900] =	vst v63  }
0x28d: {  	_ = 	snop  }
0x28e: {  	[tilespmem:s16], [sflag:$0x5] =	stream.indirect_vreg.gather [hbm4b:s4+s3], $0x80, v3, vm1, $0xb8;
	[tilespmem:$0x19900] =	vst v63  }
0x28f: {  	v3 =	vld [tilespmem:s31+$0xFFFFFFE0];
	_ =	sdelay $0x4  }
0x290: {  	v61 =	vperm.xlane v3, v0;
	_ =	sdelay $0x1  }
0x291: {  	v3 =	vperm.xlane v3, v2;
	v4 =	vadd.s32 v1, v61;
	_ =	sdelay $0x1  }
0x292: {  	v3 =	vadd.s32 v1, v3;
	_ =	sdelay $0x2  }
0x293: {  	[tilespmem:s18], [sflag:$0x5] =	stream.indirect_vreg.gather [hbm4b:s4+s3], $0x80, v4, vm1, $0xb8;
	[tilespmem:$0x19900] =	vst v63  }
0x294: {  	_ = 	snop  }
0x295: {  	[tilespmem:s19], [sflag:$0x5] =	stream.indirect_vreg.gather [hbm4b:s4+s3], $0x80, v3, vm1, $0xb8;
	[tilespmem:$0x19900] =	vst v63  }
0x296: {  	v3 =	vld [tilespmem:s31+$0xFFFFFFF0];
	_ =	sdelay $0x4  }
0x297: {  	v62 =	vperm.xlane v3, v0;
	_ =	sdelay $0x1  }
0x298: {  	v3 =	vperm.xlane v3, v2;
	v4 =	vadd.s32 v1, v62;
	_ =	sdelay $0x1  }
0x299: {  	v3 =	vadd.s32 v1, v3;
	_ =	sdelay $0x2  }
0x29a: {  	[tilespmem:s20], [sflag:$0x5] =	stream.indirect_vreg.gather [hbm4b:s4+s3], $0x80, v4, vm1, $0xb8;
	[tilespmem:$0x19900] =	vst v63  }
0x29b: {  	_ = 	snop  }
0x29c: {  	[tilespmem:s21], [sflag:$0x5] =	stream.indirect_vreg.gather [hbm4b:s4+s3], $0x80, v3, vm1, $0xb8;
	[tilespmem:$0x19900] =	vst v63  }
0x29d: {  	v3 =	vld [tilespmem:s31+$0x0];
	_ =	sdelay $0x4  }
0x29e: {  	v63 =	vperm.xlane v3, v0;
	_ =	sdelay $0x1  }
0x29f: {  	v3 =	vperm.xlane v3, v2;
	v4 =	vadd.s32 v1, v63;
	_ =	sdelay $0x1  }
0x2a0: {  	v3 =	vadd.s32 v1, v3  }
.Ltmp3:
0x2a1: {  	_ = 	snop;
	(pc) =	sbr.rel .LBB2_2-.Ltmp3, $4  }
0x2a2: {  	_ = 	snop  }
0x2a3: {  	[tilespmem:s22], [sflag:$0x5] =	stream.indirect_vreg.gather [hbm4b:s4+s3], $0x80, v4, vm1, $0xb8;
	[tilespmem:$0x19900] =	vst v63  }
0x2a4: {  	s0 =	sadd.s32 $0x3000, s0;
	s31 =	sadd.s32 $0x100, s31  }
0x2a5: {  	[tilespmem:s23], [sflag:$0x5] =	stream.indirect_vreg.gather [hbm4b:s4+s3], $0x80, v3, vm1, $0xb8;
	[tilespmem:$0x19900] =	vst v63  }
.LBB2_5:
0x2a6: {  	_ =	sfence.sel $0x180000  }
0x2a7: {  	[bflag:$0x0] =	sbarrier.arrive $0xFFFF  }
0x2a8: {  	_ =	strace $0x90000047  }
0x2a9: {  	s0 =	stileid.u32;
	[bflag:$0x2] =	sbarrier.arrive $0xFFFF  }
0x2aa: {  	p0 =	sne.s32 s0, $0x0;
	s0 =	rddreg [dreg:$0x3]  }
0x2ab: {  	s0 =	sadd.s32 @!p0 $0x100000, s0  }
0x2ac: {  	[sflag:s0] =	ssyncadd.tile.s32 @!p0 $0x1;
	_ =	shalt  }
.Lfunc_end2:
_tile_overlayer_lowered:
.L_overlay_start_2:
0x2ad: {  	(tag) =	ssettag $0x2  }
0x2ae: {  	s0 =	rddreg [dreg:$0x0];
	s2 =	stileid.u32  }
0x2af: {  	s1 =	rddreg [dreg:$0x1];
	p0 =	sne.s32 s2, $0x0  }
0x2b0: {  	s3 =	rddreg [dreg:$0x2];
	[bflag:$0x3] =	sbarrier.arrive $0xFFFF;
	s2 =	simm.s32 @!p0 $0x1C07  }
0x2b1: {  	[timem:s3], [sflag:s2] =	dma.local @!p0 [hbm:s0], s1  }
0x2b2: {  	s0 =	simm.s32 @!p0 $0x7  }
0x2b3: {  	_ =	swait.ge @!p0 [sflag:s0], s1  }
0x2b4: {  	s1 =	ssub.s32 @!p0 $0x0, s1;
	[sflag:s0] =	ssyncset.done @!p0 $0x0  }
0x2b5: {  	[sflag:s0] =	ssyncadd.s32 @!p0 s1  }
0x2b6: {  	[bflag:$0x3] =	sbarrier.arrive $0xFFFF  }
0x2b7: {  	_ =	shalt  }

// kernel: sparse-core-data-format-call.cloned.1.call-start
scs
called_computation_lowered:
.L_overlay_start_0:
0x0: {  	s2 =	sld [smem:$0x3FD9]  }
0x1: {  	s3 =	sld [smem:$0x3FFE];
	_ =	sdelay $0x1  }
0x2: {  	s1 =	srdreg.scid  }
0x3: {  	s0 =	sand.u32 $0x1, s1  }
0x4: {  	s15 =	sshll.u32 s0, $0xA;
	s2 =	sadd.s32 s3, s2  }
0x5: {  	s2 =	sadd.s32 s2, s15  }
0x6: {  	[smem:$0x3FC6] =	sst s2  }
0x7: {  	_ = 	snop  }
0x8: {  	s2 =	sld [smem:$0x3FD0];
	_ =	sdelay $0x2  }
0x9: {  	s16 =	simm.s32 $0xA;
	s4 =	simm.s32 $0x10  }
0xa: {  	[smem:s4], [sflag:s16] =	dma.local [hbm:s2], $0x1  }
0xb: {  	_ =	swait.eq [sflag:s16], $0x1  }
0xc: {  	[sflag:s16] =	ssyncset.done $0x0  }
0xd: {  	[sflag:s16] =	ssyncadd.s32 $0xFFFFFFFF  }
0xe: {  	s17 =	sld [smem:$0x10];
	(tm) =	ssettm $0x1  }
0xf: {  	s18 =	sld [smem:$0x3FFB];
	_ =	sdelay $0x3  }
0x10: {  	_ =	strace s18  }
0x11: {  	s3 =	sld [smem:$0x3FFC];
	_ =	sdelay $0x3  }
0x12: {  	_ =	strace s3  }
0x13: {  	s3 =	sld [smem:$0x3FFD];
	_ =	sdelay $0x3  }
0x14: {  	_ =	strace s3  }
0x15: {  	_ =	strace $0x8FFFFFFF  }
0x16: {  	s19 =	sld [smem:$0x3FDB];
	_ =	sdelay $0x1  }
0x17: {  	s20 =	simm.s32 $_scs_section_size  }
0x18: {  	s5 =	simm.s32 $_size__tile_overlayer_lowered;
	s6 =	simm.s32 $_tile_overlayer_lowered  }
0x19: {  	s23 =	simm.s32 $0x1BFF;
	s22 =	sshll.u32 s6, $0x1;
	s3 =	sadd.s32 s20, s19  }
0x1a: {  	s7 =	simm.s32 $0x0;
	s21 =	sshll.u32 s5, $0x1;
	s5 =	sadd.s32 s22, s3  }
0x1b: {  	[timem:s7], [sflag:s23] =	dma.local [hbm:s5], s21  }
0x1c: {  	_ =	swait.ge [sflag:s23], s21  }
0x1d: {  	s4 =	ssub.s32 $0x0, s21;
	[sflag:s23] =	ssyncset.done $0x0  }
0x1e: {  	[sflag:s23] =	ssyncadd.s32 s4;
	_ =	sdelay $0x1  }
0x1f: {  	s24 =	simm.s32 $0x1B8B  }
0x20: {  	_ =	swait.ge [sflag:s24], $0x1  }
0x21: {  	[sflag:s24] =	ssyncset.done $0x0  }
0x22: {  	s26 =	simm.s32 $0x1B8E;
	s25 =	sld [smem:$0x3FFE];
	[sflag:s24] =	ssyncadd.s32 $0xFFFFFFFF  }
0x23: {  	s27 =	simm.s32 $execute0_lowered;
	[smem:$0x3FD2] =	sst s26  }
0x24: {  	s5 =	sshll.u32 s27, $0x1;
	_ =	strace $0x80000049;
	[dreg:$0x1] =	wrdreg $0xFFFFFFFF  }
0x25: {  	s28 =	simm.s32 $_size_execute0_lowered;
	s3 =	sadd.s32 s3, s5;
	[dreg:$0x0] =	wrdreg $0x0  }
0x26: {  	s5 =	sshll.u32 s28, $0x1;
	[dreg:$0x2] =	wrdreg s3  }
0x27: {  	[dreg:$0x3] =	wrdreg s5  }
0x28: {  	[dreg:$0x4] =	wrdreg $0xC0  }
0x29: {  	_ =	task [dreg:s7], $0x5FFFF  }
0x2a: {  	[dreg:$0x1] =	wrdreg $0xFFFFFFFF  }
0x2b: {  	[dreg:$0x0] =	wrdreg $0x60  }
0x2c: {  	[dreg:$0x2] =	wrdreg s25  }
0x2d: {  	[dreg:$0x3] =	wrdreg s17  }
0x2e: {  	[dreg:$0x4] =	wrdreg $0x9  }
0x2f: {  	_ =	task.clear_ibuf [dreg:s7], $0x5FFFF;
	_ =	strace $0x90000049  }
0x30: {  	s29 =	simm.s32 $0x9;
	_ =	strace $0x8000004B  }
0x31: {  	_ =	swait.ge [sflag:s29], $0x1  }
0x32: {  	[sflag:s29] =	ssyncadd.s32 $0xFFFFFFFF  }
0x33: {  	_ =	strace $0x9000004B  }
0x34: {  	_ =	sfence  }
0x35: {  	s30 =	sld [smem:$0x0];
	_ =	sdelay $0x2  }
0x36: {  	s31 =	sshll.u32 s1, $0xD;
	s1 =	sshrl.u32 s1, $0x2  }
0x37: {  	s3 =	sand.u32 $0x4000, s31;
	s1 =	sadd.s32 s1, s30  }
0x38: {  	s0 =	sor.u32 s3, s0;
	s1 =	sshll.u32 s1, $0x11  }
0x39: {  	s0 =	sor.u32 s1, s0  }
0x3a: {  	s0 =	sadd.s32 $0x8F2B, s0  }
0x3b: {  	[sflag:s0] =	ssyncadd.remote.s32 $0x1  }
0x3c: {  	_ =	sfence.sel $0xFFFF  }
0x3d: {  	[dreg:$0x0] =	wrdreg $0xFFFFFFFF;
	(pc) =	sbr.abs _section_cstart, $3  }
0x3e: {  	[dreg:$0x1] =	wrdreg $0xFFFFFFFF  }
0x3f: {  	_ =	task.clear_ibuf [dreg:s7], $0x2FFFF;
	_ =	strace $0x9FFFFFFF  }
0x40: {  	(tm) =	ssettm $0x7FFFFFFF  }
0x41: {  	_ =	shalt  }
tec
execute0_lowered:
.L_overlay_start_1:
0x0: {  	(tag) =	ssettag $0x1  }
0x1: {  	s0 =	srdreg.scid;
	s6 =	rddreg [dreg:$0x0]  }
0x2: {  	s3 =	rddreg [dreg:$0x1];
	s1 =	sshll.u32 s0, $0x4  }
0x3: {  	s5 =	simm.s32 $0x1;
	s0 =	stileid.u32;
	s1 =	sand.u32 $0x10, s1  }
0x4: {  	s31 =	simm.s32 $0x2;
	s16 =	simm.s32 $0x0;
	s1 =	sor.u32 s0, s1  }
0x5: {  	s8 =	simm.s32 $0x8000;
	s18 =	simm.s32 $0x0;
	s2 =	sshll.u32 s1, $0x7  }
0x6: {  	s17 =	simm.s32 $0x0;
	s9 =	simm.s32 $0x0;
	s4 =	ssub.s32 $0x1000, s2  }
0x7: {  	s10 =	simm.s32 $0x0;
	s11 =	simm.s32 $0x0;
	s30 =	sand.u32 $0xF80, s4  }
0x8: {  	s12 =	simm.s32 $0x0;
	s13 =	simm.s32 $0x0;
	p0 =	sne.s32 s30, $0x0  }
.Ltmp0:
0x9: {  	s7 =	sshrl.u32 s4, $0xC;
	s5 =	simm.s32 @!p0 $0x0;
	(pc) =	sbr.rel .LBB1_1-.Ltmp0, $4  }
0xa: {  	s15 =	simm.s32 $0x0;
	s1 =	rddreg [dreg:$0x2];
	s5 =	sadd.s32 s5, s7  }
0xb: {  	_ =	strace $0x8000004A;
	s4 =	simm.s32 $0x1;
	s5 =	smul.u32 $0x96, s5  }
0xc: {  	s6 =	sadd.s32 $0xC6DE00, s6;
	s14 =	smov.u32 s2;
	[sflag:s4] =	ssyncpa.u1 $0x0  }
0xd: {  	[sflag:s31] =	ssyncpa.u1 $0x0;
	p0 =	por $0x0, $0x0;
	s7 =	sor.u32 $0x1, s5  }
.LBB1_4:
0xe: {  	s23 =	sshra.s32 s23, $0x2;
	s30 =	sshll.u32 s9, $0xC  }
0xf: {  	p1 =	sgt.s32 s10, $0x31;
	s24 =	smov.u32 s10;
	s25 =	sshra.s32 s10, $0x1F  }
0x10: {  	s26 =	sshll.u32 s11, $0x3;
	s28 =	smov.u32 s11;
	s29 =	sshra.s32 s11, $0x1F  }
0x11: {  	s22 =	sadd.s32 s23, s22;
	s24 =	simm.s32 @!p1 $0x31;
	s25 =	sand.u32 s25, s10  }
0x12: {  	s23 =	sand.u32 $0xFFFF8000, s30;
	s27 =	sand.u32 $0xFFFFFC00, s26;
	p1 =	sgt.s32 s9, $0xB0  }
0x13: {  	s31 =	sand.u32 s29, s11;
	s29 =	sshll.u32 s9, $0x7;
	s30 =	sshra.s32 s9, $0x1F  }
0x14: {  	[tilespmem:s21+$0x2040 ss:$0x81] =	vst.msk $0xffff, v4;
	s24 =	ssub.s32 s24, s25;
	s23 =	sadd.s32 s27, s23;
	s27 =	smov.u32 s9  }
0x15: {  	[tilespmem:s21+$0x2850 ss:$0x81] =	vst.msk $0xffff, v3;
	s29 =	sand.u32 $0x380, s29;
	s25 =	sadd.s32 $0xFFFFFFCF, s24;
	s27 =	simm.s32 @!p1 $0xB0  }
0x16: {  	v5 =	vld [tilespmem:s20+$0xFFFFFFD0];
	[tilespmem:s21+$0x3060 ss:$0x81] =	vst.msk $0xffff, v2;
	p1 =	sgt.s32 s11, $0xF80;
	s23 =	sshrl.u32 s23, $0xC;
	s24 =	ssub.s32 $0x32, s24  }
0x17: {  	v58 =	vld [tilespmem:s20+$0xFFFFFFE0];
	[tilespmem:s21+$0x0 ss:$0x81] =	vst.msk $0xffff, v1;
	s28 =	simm.s32 @!p1 $0xF80;
	p1 =	sgt.s32 s25, $0x0;
	s21 =	smulhi.u32 $0xD79436, s23  }
0x18: {  	v59 =	vld [tilespmem:s20+$0xFFFFFFF0];
	s25 =	ssub.s32 s28, s31;
	s28 =	sand.u32 s30, s9;
	s24 =	simm.s32 @p1 $0x0  }
0x19: {  	v60 =	vld [tilespmem:s20+$0x0];
	s27 =	ssub.s32 s27, s28;
	s31 =	sadd.s32 $0xFFFFF080, s25;
	s25 =	ssub.s32 $0x1000, s25  }
0x1a: {  	v61 =	vld [tilespmem:s20+$0x10];
	[tilespmem:s22+$0x3870 ss:$0x81] =	vst.msk $0xffff, v0;
	s21 =	smul.u32 $0x130, s21;
	s28 =	sand.u32 $0x7, s11;
	p1 =	sgt.s32 s31, $0x7F  }
0x1b: {  	v62 =	vld [tilespmem:s20+$0x20];
	[tilespmem:s22+$0x810 ss:$0x81] =	vst.msk $0xffff, v5;
	s30 =	sadd.s32 $0xFFFFFF50, s27;
	s31 =	sand.u32 $0x78, s11;
	s25 =	simm.s32 @p1 $0x0  }
0x1c: {  	v63 =	vld [tilespmem:s20+$0xFFFFFFC0];
	[tilespmem:s22+$0x1020 ss:$0x81] =	vst.msk $0xffff, v58;
	p1 =	sgt.s32 s30, $0x7F;
	s30 =	sand.u32 $0xC00, s26;
	s24 =	smul.u32 s25, s24  }
0x1d: {  	[tilespmem:s22+$0x1830 ss:$0x81] =	vst.msk $0xffff, v59;
	s26 =	ssub.s32 $0x130, s27;
	s20 =	sor.u32 s31, s30;
	s31 =	smul.u32 $0x26000, s10  }
0x1e: {  	[tilespmem:s22+$0x2040 ss:$0x81] =	vst.msk $0xffff, v60;
	s21 =	ssub.s32 s23, s21;
	s26 =	simm.s32 @p1 $0x0;
	s20 =	sor.u32 s29, s20  }
0x1f: {  	[tilespmem:s22+$0x2850 ss:$0x81] =	vst.msk $0xffff, v61;
	s26 =	smul.u32 s26, s24;
	s20 =	sshrl.u32 s20, $0x3;
	s27 =	sadd.s32 s3, s31  }
0x20: {  	[tilespmem:s22+$0x3060 ss:$0x81] =	vst.msk $0xffff, v62;
	s21 =	sshll.u32 s21, $0x9;
	s29 =	sshll.u32 s28, $0x12;
	s20 =	sadd.s32 s20, s27  }
0x21: {  	[tilespmem:s22+$0x0 ss:$0x81] =	vst.msk $0xffff, v63;
	s31 =	sor.u32 $0x400, s29;
	s30 =	sand.u32 $0x3FFFFFFF, s26;
	s20 =	sadd.s32 s21, s20  }
0x22: {  	[hbm4b:s20+s31] =	stream.strided.scatter [tilespmem:s19], [sflag:$0x2], s30, s8, s31, $0x20;
	[tilespmem:$0x10100] =	vst v63  }
.LBB1_5:
0x23: {  	p1 =	slt.u32 s15, $0x2  }
0x24: {  	p2 =	sgt.s32 @!p1 s18, $0x31  }
0x25: {  	s19 =	smov.u32 s18;
	s20 =	sshra.s32 @!p1 s18, $0x1F;
	p2 =	por !p2, p1  }
0x26: {  	s18 =	sand.u32 @!p1 s20, s18;
	s19 =	simm.s32 @p2 $0x31  }
0x27: {  	p3 =	sgt.s32 @!p1 s16, $0xB0;
	s18 =	ssub.s32 @!p1 s19, s18  }
0x28: {  	p4 =	sgt.s32 @!p1 s17, $0xF80;
	s21 =	sshra.s32 @!p1 s17, $0x1F;
	s19 =	sadd.s32 @!p1 $0xFFFFFFCF, s18  }
0x29: {  	s20 =	smov.u32 s16;
	p2 =	sgt.s32 @!p1 s19, $0x0;
	s19 =	sshra.s32 @!p1 s16, $0x1F  }
0x2a: {  	p4 =	por !p4, p1;
	s16 =	sand.u32 @!p1 s19, s16;
	s19 =	smov.u32 s17  }
0x2b: {  	p3 =	por !p3, p1;
	s17 =	sand.u32 @!p1 s21, s17;
	s19 =	simm.s32 @p4 $0xF80  }
0x2c: {  	s20 =	simm.s32 @p3 $0xB0;
	s18 =	ssub.s32 @!p1 $0x32, s18;
	s17 =	ssub.s32 @!p1 s19, s17  }
0x2d: {  	p2 =	por !p2, p1;
	s16 =	ssub.s32 @!p1 s20, s16;
	s20 =	sadd.s32 @!p1 $0xFFFFF080, s17  }
0x2e: {  	s18 =	simm.s32 @!p2 $0x0;
	p3 =	sgt.s32 @!p1 s20, $0x7F  }
0x2f: {  	s19 =	sadd.s32 @!p1 $0xFFFFFF50, s16;
	s17 =	ssub.s32 @!p1 $0x1000, s17;
	p3 =	por !p3, p1  }
0x30: {  	p2 =	sgt.s32 @!p1 s19, $0x7F;
	s19 =	sadd.s32 $0x80, s12;
	s17 =	simm.s32 @!p3 $0x0  }
0x31: {  	p3 =	sgt.s32 s19, $0x12B;
	s17 =	smul.u32 @!p1 s17, s18;
	s18 =	simm.s32 $0x1  }
0x32: {  	s16 =	ssub.s32 @!p1 $0x130, s16;
	p2 =	por !p2, p1;
	s18 =	simm.s32 @!p3 $0x0  }
0x33: {  	s21 =	smov.u32 s14;
	s16 =	simm.s32 @!p2 $0x0;
	s20 =	sadd.s32 s18, s13  }
0x34: {  	s16 =	smul.u32 @!p1 s16, s17;
	s17 =	sadd.s32 $0x1000, s14;
	p2 =	sgt.s32 s20, $0x31  }
0x35: {  	p0 =	por !p0, !p0;
	s22 =	simm.s32 @!p1 $0x2;
	s21 =	smov.u32 @p2 s17  }
0x36: {  	s19 =	simm.s32 @p3 $0x0;
	s20 =	simm.s32 @p2 $0x0;
	p2 =	sgt.s32 s21, $0xFFF  }
0x37: {  	s18 =	smov.u32 s10;
	s21 =	smov.u32 @p2 s2;
	p2 =	sne.s32 s15, s7  }
.Ltmp1:
0x38: {  	s10 =	smov.u32 s13;
	s16 =	sand.u32 @!p1 $0x3FFFFFFF, s16;
	(pc) =	sbr.rel @!p2 .LBB1_6-.Ltmp1, $4  }
0x39: {  	s17 =	smov.u32 s11;
	s11 =	smov.u32 s14;
	_ =	swait.ge @!p1 [sflag:s22], s16  }
0x3a: {  	s23 =	ssub.s32 @!p1 $0x0, s16;
	s16 =	smov.u32 s9;
	s9 =	smov.u32 s12  }
0x3b: {  	s12 =	smov.u32 s19;
	s13 =	smov.u32 s20;
	[sflag:s22] =	ssyncset.done @!p1 $0x0  }
0x3c: {  	s15 =	sadd.s32 $0x1, s15;
	[sflag:s22] =	ssyncadd.s32 @!p1 s23;
	s14 =	smov.u32 s21  }
.LBB1_1:
0x3d: {  	p1 =	sge.u32 s15, s5  }
0x3e: {  	s19 =	sshrl.u32 @!p1 s13, $0x3  }
0x3f: {  	s20 =	sshll.u32 @!p1 s12, $0x3;
	s19 =	smul.u32 @!p1 $0xC00, s19  }
0x40: {  	s21 =	sshll.u32 @!p1 s13, $0x7;
	s20 =	sand.u32 @!p1 $0xFFFFFC00, s20  }
0x41: {  	s19 =	sadd.s32 @!p1 s19, s20;
	s20 =	sand.u32 @!p1 $0x380, s21  }
0x42: {  	s19 =	sor.u32 @!p1 s20, s19  }
0x43: {  	s20 =	sand.u32 @!p1 $0x7F, s12;
	s21 =	smulhi.u32 @!p1 $0xAAAAAAAB, s19  }
0x44: {  	s19 =	sor.u32 @!p1 s20, s19  }
0x45: {  	s20 =	smulhi.u32 @!p1 $0xAAAAAAAB, s19;
	s21 =	sshrl.u32 @!p1 s21, $0x8  }
0x46: {  	s22 =	smulhi.u32 @!p1 $0x4924925, s21;
	_ =	sdelay $0x1  }
0x47: {  	s20 =	sshrl.u32 @!p1 s20, $0x8;
	s22 =	smul.u32 @!p1 $0x38, s22  }
0x48: {  	s31 =	sadd.s32 $0xFFFFFFFF, s15;
	s20 =	smul.u32 @!p1 $0x180, s20  }
0x49: {  	s23 =	sxor.u32 @!p1 $0xFFFFFFFF, s15;
	s21 =	ssub.s32 @!p1 s21, s22;
	s22 =	smul.u32 @!p1 $0xA80, s14  }
0x4a: {  	s23 =	sshll.u32 @!p1 s23, $0xE;
	s19 =	ssub.s32 @!p1 s19, s20;
	s20 =	smul.u32 @!p1 $0x30, s21  }
0x4b: {  	s21 =	sand.u32 @!p1 $0x4000, s23;
	s23 =	sand.u32 @!p1 $0x7, s19;
	s22 =	sadd.s32 @!p1 s6, s22  }
0x4c: {  	s19 =	sshrl.u32 @!p1 s19, $0x3;
	s20 =	sadd.s32 @!p1 s20, s22;
	s22 =	sshll.u32 @!p1 s23, $0x12  }
0x4d: {  	s19 =	sadd.s32 @!p1 s19, s20;
	s20 =	sor.u32 @!p1 $0x80, s22;
	s22 =	simm.s32 @!p1 $0x5400  }
0x4e: {  	[tilespmem:s21], [sflag:$0x1] =	stream.strided.gather @!p1 [hbm4b:s19+s20], $0x4000, s22, s20, $0x38;
	[tilespmem:$0x10100] =	vst v63  }
0x4f: {  	p1 =	sge.u32 s31, s5  }
.Ltmp2:
0x50: {  	_ = 	snop;
	(pc) =	sbr.rel @p1 .LBB1_5-.Ltmp2, $1  }
0x51: {  	_ =	sdelay $0x3  }
0x52: {  	s19 =	simm.s32 $0x1  }
0x53: {  	_ =	swait.ge [sflag:s4], $0x4000;
	s19 =	simm.s32 @!p0 $0x0  }
0x54: {  	[sflag:s4] =	ssyncset.done $0x0;
	s20 =	sshll.u32 s19, $0xE  }
0x55: {  	[sflag:s4] =	ssyncadd.s32 $0xFFFFC000;
	s20 =	sor.u32 $0x40, s20  }
0x56: {  	s19 =	smul.u32 $0x10200, s19;
	v0 =	vld [tilespmem:s20+$0x30]  }
0x57: {  	v1 =	vld [tilespmem:s20+$0xFFFFFFD0]  }
0x58: {  	s19 =	sshrl.u32 s19, $0x2;
	v5 =	vld [tilespmem:s20+$0xFFFFFFE0]  }
0x59: {  	v6 =	vld [tilespmem:s20+$0xFFFFFFF0];
	s22 =	sor.u32 $0x8000, s19  }
0x5a: {  	s31 =	sand.u32 $0x1, s15;
	v4 =	vld [tilespmem:s20+$0x0];
	s21 =	sadd.s32 $0x0, s22  }
0x5b: {  	v3 =	vld [tilespmem:s20+$0x10];
	s19 =	smul.u32 $0x10200, s31;
	[tilespmem:s21+$0x3870 ss:$0x81] =	vst.msk $0xffff, v0  }
0x5c: {  	v2 =	vld [tilespmem:s20+$0x20];
	[tilespmem:s21+$0x810 ss:$0x81] =	vst.msk $0xffff, v1  }
0x5d: {  	s19 =	sshrl.u32 s19, $0x2;
	v1 =	vld [tilespmem:s20+$0xFFFFFFC0];
	[tilespmem:s21+$0x1020 ss:$0x81] =	vst.msk $0xffff, v5;
	s20 =	sadd.s32 $0x80, s20  }
0x5e: {  	s23 =	simm.s32 $0x4;
	s24 =	simm.s32 $0x8;
	s19 =	sor.u32 $0x8000, s19;
	[tilespmem:s21+$0x1830 ss:$0x81] =	vst.msk $0xffff, v6;
	v0 =	vld [tilespmem:s20+$0x30]  }
.LBB1_3:
0x5f: {  	p1 =	sne.s32 s24, $0x1FC;
	v5 =	vld [tilespmem:s20+$0xFFFFFFD0];
	[tilespmem:s21+$0x2040 ss:$0x81] =	vst.msk $0xffff, v4  }
0x60: {  	v6 =	vld [tilespmem:s20+$0xFFFFFFE0];
	[tilespmem:s21+$0x2850 ss:$0x81] =	vst.msk $0xffff, v3  }
0x61: {  	s25 =	sshra.s32 s23, $0x2;
	s23 =	smov.u32 s24;
	v7 =	vld [tilespmem:s20+$0xFFFFFFF0];
	[tilespmem:s21+$0x3060 ss:$0x81] =	vst.msk $0xffff, v2  }
.Ltmp3:
0x62: {  	v4 =	vld [tilespmem:s20+$0x0];
	[tilespmem:s21+$0x0 ss:$0x81] =	vst.msk $0xffff, v1;
	s21 =	sadd.s32 s25, s22;
	(pc) =	sbr.rel @p1 .LBB1_3-.Ltmp3, $4  }
0x63: {  	v3 =	vld [tilespmem:s20+$0x10];
	[tilespmem:s21+$0x3870 ss:$0x81] =	vst.msk $0xffff, v0  }
0x64: {  	[tilespmem:s21+$0x810 ss:$0x81] =	vst.msk $0xffff, v5;
	v2 =	vld [tilespmem:s20+$0x20]  }
0x65: {  	v1 =	vld [tilespmem:s20+$0xFFFFFFC0];
	[tilespmem:s21+$0x1020 ss:$0x81] =	vst.msk $0xffff, v6;
	s20 =	sadd.s32 $0x80, s20  }
0x66: {  	s24 =	sadd.s32 $0x4, s24;
	v0 =	vld [tilespmem:s20+$0x30];
	[tilespmem:s21+$0x1830 ss:$0x81] =	vst.msk $0xffff, v7  }
.Ltmp4:
0x67: {  	_ = 	snop;
	(pc) =	sbr.rel .LBB1_4-.Ltmp4, $1  }
0x68: {  	_ =	sdelay $0x3  }
.LBB1_6:
0x69: {  	_ =	sfence.sel $0x180000  }
0x6a: {  	s2 =	simm.s32 $0x1;
	[bflag:$0x0] =	sbarrier.arrive $0xFFFF  }
0x6b: {  	s31 =	simm.s32 $0x2;
	[sflag:s2] =	ssyncpa.u1 $0x1  }
0x6c: {  	[sflag:s31] =	ssyncpa.u1 $0x1  }
0x6d: {  	p0 =	sne.s32 s0, $0x0;
	_ =	strace $0x9000004A  }
0x6e: {  	s0 =	sadd.s32 @!p0 $0x100000, s1;
	[bflag:$0x2] =	sbarrier.arrive $0xFFFF  }
0x6f: {  	[sflag:s0] =	ssyncadd.tile.s32 @!p0 $0x1;
	_ =	shalt  }
.Lfunc_end1:
_tile_overlayer_lowered:
.L_overlay_start_2:
0x70: {  	(tag) =	ssettag $0x2  }
0x71: {  	s0 =	rddreg [dreg:$0x0];
	s2 =	stileid.u32  }
0x72: {  	s1 =	rddreg [dreg:$0x1];
	p0 =	sne.s32 s2, $0x0  }
0x73: {  	s3 =	rddreg [dreg:$0x2];
	[bflag:$0x3] =	sbarrier.arrive $0xFFFF;
	s2 =	simm.s32 @!p0 $0x1C01  }
0x74: {  	[timem:s3], [sflag:s2] =	dma.local @!p0 [hbm:s0], s1  }
0x75: {  	s0 =	simm.s32 @!p0 $0x1  }
0x76: {  	_ =	swait.ge @!p0 [sflag:s0], s1  }
0x77: {  	s1 =	ssub.s32 @!p0 $0x0, s1;
	[sflag:s0] =	ssyncset.done @!p0 $0x0  }
0x78: {  	[sflag:s0] =	ssyncadd.s32 @!p0 s1  }
0x79: {  	[bflag:$0x3] =	sbarrier.arrive $0xFFFF  }
0x7a: {  	_ =	shalt  }

</sc_bundles>
